<compile_context>
chip_gen: v7x
topology: tpu7x:2x2x1
jax: 0.10.2.dev20260603
libtpu: 0.0.44.dev20260713+nightly
codegen_flags: <defaults>
</compile_context>

<pallas_src>
import functools

import numpy as np
import jax
import jax.numpy as jnp
from jax import lax
from jax.experimental import pallas as pl
from jax.experimental.pallas import tpu as pltpu
from jax.experimental.pallas import tpu_sc as plsc

_B = 4096
_L = 200
_D = 64
_EPS = 1e-5
_NC, _NS = 2, 16
_NW = _NC * _NS
_ROWS_PER_W = _B // _NW
_LANES = 16
_NV = _D // _LANES


def _make_pe_np(max_len, d):
    position = np.arange(max_len, dtype=np.float32)[:, None]
    div_term = np.exp(np.arange(0, d, 2, dtype=np.float32) * -(np.log(10000.0) / d))
    pe = np.zeros((max_len, d), dtype=np.float32)
    pe[:, 0::2] = np.sin(position * div_term)
    pe[:, 1::2] = np.cos(position * div_term)
    return pe


def _sc_body(x_hbm, t_hbm, tok_hbm, time_hbm, pe_hbm, gam_hbm, bet_hbm,
             out_hbm, xi_v, ti_v, tokr_v, timr_v, out_v, pe_v, gam_v, bet_v,
             sem):
    wid = lax.axis_index("s") * _NC + lax.axis_index("c")
    pltpu.sync_copy(pe_hbm, pe_v)
    pltpu.sync_copy(gam_hbm, gam_v)
    pltpu.sync_copy(bet_hbm, bet_v)
    base_row = wid * _ROWS_PER_W
    half = 1.5

    def per_row(r, carry):
        row = base_row + r
        pltpu.sync_copy(x_hbm.at[row], xi_v)
        pltpu.sync_copy(t_hbm.at[row], ti_v)
        cps = [
            pltpu.async_copy(tok_hbm.at[xi_v.at[0]], tokr_v.at[pl.ds(0, 100)], sem),
            pltpu.async_copy(tok_hbm.at[xi_v.at[1]], tokr_v.at[pl.ds(100, 100)], sem),
            pltpu.async_copy(time_hbm.at[ti_v.at[0]], timr_v.at[pl.ds(0, 100)], sem),
            pltpu.async_copy(time_hbm.at[ti_v.at[1]], timr_v.at[pl.ds(100, 100)], sem),
        ]
        for cp in cps:
            cp.wait()

        iota = lax.iota(jnp.int32, _LANES)

        def per_pos(i, c):
            vs = [tokr_v[i, pl.ds(k * _LANES, _LANES)]
                  + timr_v[i, pl.ds(k * _LANES, _LANES)]
                  + pe_v[i, pl.ds(k * _LANES, _LANES)]
                  for k in range(_NV)]
            s1 = (vs[0] + vs[1]) + (vs[2] + vs[3])
            s2 = (vs[0] * vs[0] + vs[1] * vs[1]) + (vs[2] * vs[2] + vs[3] * vs[3])
            for step in (1, 2, 4, 8):
                perm = iota ^ step
                s1 = s1 + jnp.take_along_axis(s1, perm, axis=0,
                                              mode="promise_in_bounds")
                s2 = s2 + jnp.take_along_axis(s2, perm, axis=0,
                                              mode="promise_in_bounds")
            mu = s1 * (1.0 / _D)
            var = s2 * (1.0 / _D) - mu * mu + _EPS
            yi = (jnp.int32(0x5F3759DF)
                  - (lax.bitcast_convert_type(var, jnp.int32) >> 1))
            y = lax.bitcast_convert_type(yi, jnp.float32)
            hx = var * 0.5
            y = y * (half - hx * y * y)
            y = y * (half - hx * y * y)
            y = y * (half - hx * y * y)
            for k in range(_NV):
                g = gam_v[pl.ds(k * _LANES, _LANES)]
                b = bet_v[pl.ds(k * _LANES, _LANES)]
                out_v[i, pl.ds(k * _LANES, _LANES)] = (vs[k] - mu) * y * g + b
            return c

        lax.fori_loop(0, _L, per_pos, 0)
        pltpu.sync_copy(out_v, out_hbm.at[row])
        return carry

    lax.fori_loop(0, _ROWS_PER_W, per_row, 0)


@jax.jit
def kernel(x, timestamp, tok_table, time_table, gamma, beta):
    pe = jnp.asarray(_make_pe_np(_L, _D))
    x2 = x.reshape(_B, 2, _L // 2)
    t2 = timestamp.reshape(_B, 2, _L // 2)
    mesh = plsc.VectorSubcoreMesh(core_axis_name="c", subcore_axis_name="s",
                                  num_cores=_NC, num_subcores=_NS)
    run = pl.kernel(
        _sc_body,
        out_type=jax.ShapeDtypeStruct((_B, _L, _D), jnp.float32),
        mesh=mesh,
        compiler_params=pltpu.CompilerParams(use_tc_tiling_on_sc=False),
        scratch_types=[
            pltpu.VMEM((2, _L // 2), jnp.int32),
            pltpu.VMEM((2, _L // 2), jnp.int32),
            pltpu.VMEM((_L, _D), jnp.float32),
            pltpu.VMEM((_L, _D), jnp.float32),
            pltpu.VMEM((_L, _D), jnp.float32),
            pltpu.VMEM((_L, _D), jnp.float32),
            pltpu.VMEM((_D,), jnp.float32),
            pltpu.VMEM((_D,), jnp.float32),
            pltpu.SemaphoreType.DMA,
        ],
    )
    return run(x2, t2, tok_table, time_table, pe, gamma, beta)

# --- scband reference (transcript-rebuilt; emitter-appended) ---
"""Pipeline reference for scband-embedding-25709674234382 (READ-ONLY COPY).

The authoritative reference and input builder live on the scoring server;
editing this copy changes nothing except your own understanding.
"""

import jax, jax.numpy as jnp
import numpy as np

B = 4096
MAX_LEN = 200
D_MODEL = 64
VOCAB = 1000000
TIMESPAN = 86404
EPS = 1e-5


def make_pe(max_len, d):
    position = np.arange(max_len, dtype=np.float32)[:, None]
    div_term = np.exp(np.arange(0, d, 2, dtype=np.float32) * -(np.log(10000.0) / d))
    pe = np.zeros((max_len, d), dtype=np.float32)
    pe[:, 0::2] = np.sin(position * div_term)
    pe[:, 1::2] = np.cos(position * div_term)
    return jnp.asarray(pe)


def setup_inputs(seed: int = 0):
    key = jax.random.key(seed)
    k1, k2, k3, k4 = jax.random.split(key, 4)
    x = jax.random.randint(k1, (B, MAX_LEN), 0, VOCAB, dtype=jnp.int32)
    timestamp = jax.random.randint(k2, (B, MAX_LEN), 0, TIMESPAN, dtype=jnp.int32)
    tok_table = jax.random.normal(k3, (VOCAB, D_MODEL), dtype=jnp.float32)
    time_table = jax.random.normal(k4, (TIMESPAN, D_MODEL), dtype=jnp.float32)
    gamma = jnp.ones((D_MODEL,), dtype=jnp.float32)
    beta = jnp.zeros((D_MODEL,), dtype=jnp.float32)
    return {"x": x, "timestamp": timestamp, "tok_table": tok_table,
            "time_table": time_table, "gamma": gamma, "beta": beta}


def reference(x, timestamp, tok_table, time_table, gamma, beta):
    # embedding == 'both': tok + time + positional; dropout in eval mode (identity)
    L = x.shape[1]
    pe = make_pe(MAX_LEN, D_MODEL)[:L]
    emb = jnp.take(tok_table, x, axis=0) + jnp.take(time_table, timestamp, axis=0) + pe[None, :, :]
    mu = jnp.mean(emb, axis=-1, keepdims=True)
    var = jnp.var(emb, axis=-1, keepdims=True)
    out = (emb - mu) / jnp.sqrt(var + EPS) * gamma + beta
    return out

if __name__ == "__main__":
    import jax
    _d = setup_inputs()
    print(jax.jit(kernel)(*tuple(_d.values())))

</pallas_src>

<mosaic_0001>
#map = affine_map<(d0, d1) -> (0, 0, 0)>
#map1 = affine_map<(d0, d1) -> (0, 0)>
#map2 = affine_map<(d0, d1) -> (0)>
module attributes {stable_mosaic.version = 14 : i64} {
  func.func @_sc_body(%arg0: i32, %arg1: i32, %arg2: memref<4096x2x100xi32, #tpu.memory_space<hbm>>, %arg3: memref<4096x2x100xi32, #tpu.memory_space<hbm>>, %arg4: memref<1000000x64xf32, #tpu.memory_space<hbm>>, %arg5: memref<86404x64xf32, #tpu.memory_space<hbm>>, %arg6: memref<200x64xf32, #tpu.memory_space<hbm>>, %arg7: memref<64xf32, #tpu.memory_space<hbm>>, %arg8: memref<64xf32, #tpu.memory_space<hbm>>, %arg9: memref<4096x200x64xf32, #tpu.memory_space<hbm>>, %arg10: memref<2x100xi32, #tpu.memory_space<vmem>>, %arg11: memref<2x100xi32, #tpu.memory_space<vmem>>, %arg12: memref<200x64xf32, #tpu.memory_space<vmem>>, %arg13: memref<200x64xf32, #tpu.memory_space<vmem>>, %arg14: memref<200x64xf32, #tpu.memory_space<vmem>>, %arg15: memref<200x64xf32, #tpu.memory_space<vmem>>, %arg16: memref<64xf32, #tpu.memory_space<vmem>>, %arg17: memref<64xf32, #tpu.memory_space<vmem>>, %arg18: memref<!tpu.dma_semaphore, #tpu.memory_space<semaphore_mem>>) attributes {dimension_semantics = [#tpu.dimension_semantics<core_parallel>, #tpu.dimension_semantics<subcore_parallel>], iteration_bounds = array<i64: 2, 16>, scalar_prefetch = 0 : i64, scratch_operands = 9 : i64, tpu.core_type = #tpu.core_type<sc_vector_subcore>, window_params = [{transform_indices = #map}, {transform_indices = #map}, {transform_indices = #map1}, {transform_indices = #map1}, {transform_indices = #map1}, {transform_indices = #map2}, {transform_indices = #map2}, {transform_indices = #map}]} {
    %mul3A = arith.constant 2 : i32
    %mul3A_0 = arith.muli %arg1, %mul3A : i32
    %add3A = arith.addi %mul3A_0, %arg0 : i32
    "tpu.region"() ({
      %run_scoped3A = tpu.sem_alloc : memref<!tpu.dma_semaphore, #tpu.memory_space<semaphore_mem>>
      tpu.enqueue_dma source(%arg6 : memref<200x64xf32, #tpu.memory_space<hbm>>) target(%arg15 : memref<200x64xf32, #tpu.memory_space<vmem>>) target_semaphore(%run_scoped3A : memref<!tpu.dma_semaphore, #tpu.memory_space<semaphore_mem>>)
      tpu.wait_dma2 semaphore(%run_scoped3A : memref<!tpu.dma_semaphore, #tpu.memory_space<semaphore_mem>>) src(%arg6 : memref<200x64xf32, #tpu.memory_space<hbm>>) dst(%arg15 : memref<200x64xf32, #tpu.memory_space<vmem>>)
      tpu.yield
    }) : () -> ()
    "tpu.region"() ({
      %run_scoped3A = tpu.sem_alloc : memref<!tpu.dma_semaphore, #tpu.memory_space<semaphore_mem>>
      tpu.enqueue_dma source(%arg7 : memref<64xf32, #tpu.memory_space<hbm>>) target(%arg16 : memref<64xf32, #tpu.memory_space<vmem>>) target_semaphore(%run_scoped3A : memref<!tpu.dma_semaphore, #tpu.memory_space<semaphore_mem>>)
      tpu.wait_dma2 semaphore(%run_scoped3A : memref<!tpu.dma_semaphore, #tpu.memory_space<semaphore_mem>>) src(%arg7 : memref<64xf32, #tpu.memory_space<hbm>>) dst(%arg16 : memref<64xf32, #tpu.memory_space<vmem>>)
      tpu.yield
    }) : () -> ()
    "tpu.region"() ({
      %run_scoped3A = tpu.sem_alloc : memref<!tpu.dma_semaphore, #tpu.memory_space<semaphore_mem>>
      tpu.enqueue_dma source(%arg8 : memref<64xf32, #tpu.memory_space<hbm>>) target(%arg17 : memref<64xf32, #tpu.memory_space<vmem>>) target_semaphore(%run_scoped3A : memref<!tpu.dma_semaphore, #tpu.memory_space<semaphore_mem>>)
      tpu.wait_dma2 semaphore(%run_scoped3A : memref<!tpu.dma_semaphore, #tpu.memory_space<semaphore_mem>>) src(%arg8 : memref<64xf32, #tpu.memory_space<hbm>>) dst(%arg17 : memref<64xf32, #tpu.memory_space<vmem>>)
      tpu.yield
    }) : () -> ()
    %mul3A_1 = arith.constant 128 : i32
    %mul3A_2 = arith.muli %add3A, %mul3A_1 : i32
    %scan3A = arith.constant 0 : i32
    %scan3A_3 = arith.constant 0 : i32
    %scan3A_4 = arith.constant 128 : i32
    %scan3A_5 = arith.addi %scan3A_3, %scan3A_4 : i32
    %scan3A_6 = arith.constant 1 : i32
    scf.for %scan3A_8 = %scan3A_3 to %scan3A_5 step %scan3A_6  : i32 {
      %add3A_9 = arith.addi %mul3A_2, %scan3A_8 : i32
      "tpu.region"() ({
        %run_scoped3A = tpu.sem_alloc : memref<!tpu.dma_semaphore, #tpu.memory_space<semaphore_mem>>
        %dma_start3A_94 = arith.constant 0 : i32
        %dma_start3A_95 = arith.constant 0 : i32
        %dma_start3A_96 = tpu.memref_slice %arg2[%add3A_9, %dma_start3A_94, %dma_start3A_95] : memref<4096x2x100xi32, #tpu.memory_space<hbm>> -> memref<1x2x100xi32, #tpu.memory_space<hbm>>
        %dma_start3A_97 = tpu.memref_squeeze %dma_start3A_96 : memref<1x2x100xi32, #tpu.memory_space<hbm>> -> memref<2x100xi32, #tpu.memory_space<hbm>>
        %dma_start3A_98 = arith.constant 0 : i32
        %dma_start3A_99 = arith.constant 0 : i32
        %dma_start3A_100 = tpu.memref_slice %arg2[%add3A_9, %dma_start3A_98, %dma_start3A_99] : memref<4096x2x100xi32, #tpu.memory_space<hbm>> -> memref<1x2x100xi32, #tpu.memory_space<hbm>>
        %dma_start3A_101 = tpu.memref_squeeze %dma_start3A_100 : memref<1x2x100xi32, #tpu.memory_space<hbm>> -> memref<2x100xi32, #tpu.memory_space<hbm>>
        tpu.enqueue_dma source(%dma_start3A_101 : memref<2x100xi32, #tpu.memory_space<hbm>>) target(%arg10 : memref<2x100xi32, #tpu.memory_space<vmem>>) target_semaphore(%run_scoped3A : memref<!tpu.dma_semaphore, #tpu.memory_space<semaphore_mem>>)
        %dma_wait3A_102 = arith.constant 0 : i32
        %dma_wait3A_103 = arith.constant 0 : i32
        %dma_wait3A_104 = tpu.memref_slice %arg2[%add3A_9, %dma_wait3A_102, %dma_wait3A_103] : memref<4096x2x100xi32, #tpu.memory_space<hbm>> -> memref<1x2x100xi32, #tpu.memory_space<hbm>>
        %dma_wait3A_105 = tpu.memref_squeeze %dma_wait3A_104 : memref<1x2x100xi32, #tpu.memory_space<hbm>> -> memref<2x100xi32, #tpu.memory_space<hbm>>
        %dma_wait3A_106 = arith.constant 0 : i32
        %dma_wait3A_107 = arith.constant 0 : i32
        %dma_wait3A_108 = tpu.memref_slice %arg2[%add3A_9, %dma_wait3A_106, %dma_wait3A_107] : memref<4096x2x100xi32, #tpu.memory_space<hbm>> -> memref<1x2x100xi32, #tpu.memory_space<hbm>>
        %dma_wait3A_109 = tpu.memref_squeeze %dma_wait3A_108 : memref<1x2x100xi32, #tpu.memory_space<hbm>> -> memref<2x100xi32, #tpu.memory_space<hbm>>
        tpu.wait_dma2 semaphore(%run_scoped3A : memref<!tpu.dma_semaphore, #tpu.memory_space<semaphore_mem>>) src(%dma_wait3A_109 : memref<2x100xi32, #tpu.memory_space<hbm>>) dst(%arg10 : memref<2x100xi32, #tpu.memory_space<vmem>>)
        tpu.yield
      }) : () -> ()
      "tpu.region"() ({
        %run_scoped3A = tpu.sem_alloc : memref<!tpu.dma_semaphore, #tpu.memory_space<semaphore_mem>>
        %dma_start3A_94 = arith.constant 0 : i32
        %dma_start3A_95 = arith.constant 0 : i32
        %dma_start3A_96 = tpu.memref_slice %arg3[%add3A_9, %dma_start3A_94, %dma_start3A_95] : memref<4096x2x100xi32, #tpu.memory_space<hbm>> -> memref<1x2x100xi32, #tpu.memory_space<hbm>>
        %dma_start3A_97 = tpu.memref_squeeze %dma_start3A_96 : memref<1x2x100xi32, #tpu.memory_space<hbm>> -> memref<2x100xi32, #tpu.memory_space<hbm>>
        %dma_start3A_98 = arith.constant 0 : i32
        %dma_start3A_99 = arith.constant 0 : i32
        %dma_start3A_100 = tpu.memref_slice %arg3[%add3A_9, %dma_start3A_98, %dma_start3A_99] : memref<4096x2x100xi32, #tpu.memory_space<hbm>> -> memref<1x2x100xi32, #tpu.memory_space<hbm>>
        %dma_start3A_101 = tpu.memref_squeeze %dma_start3A_100 : memref<1x2x100xi32, #tpu.memory_space<hbm>> -> memref<2x100xi32, #tpu.memory_space<hbm>>
        tpu.enqueue_dma source(%dma_start3A_101 : memref<2x100xi32, #tpu.memory_space<hbm>>) target(%arg11 : memref<2x100xi32, #tpu.memory_space<vmem>>) target_semaphore(%run_scoped3A : memref<!tpu.dma_semaphore, #tpu.memory_space<semaphore_mem>>)
        %dma_wait3A_102 = arith.constant 0 : i32
        %dma_wait3A_103 = arith.constant 0 : i32
        %dma_wait3A_104 = tpu.memref_slice %arg3[%add3A_9, %dma_wait3A_102, %dma_wait3A_103] : memref<4096x2x100xi32, #tpu.memory_space<hbm>> -> memref<1x2x100xi32, #tpu.memory_space<hbm>>
        %dma_wait3A_105 = tpu.memref_squeeze %dma_wait3A_104 : memref<1x2x100xi32, #tpu.memory_space<hbm>> -> memref<2x100xi32, #tpu.memory_space<hbm>>
        %dma_wait3A_106 = arith.constant 0 : i32
        %dma_wait3A_107 = arith.constant 0 : i32
        %dma_wait3A_108 = tpu.memref_slice %arg3[%add3A_9, %dma_wait3A_106, %dma_wait3A_107] : memref<4096x2x100xi32, #tpu.memory_space<hbm>> -> memref<1x2x100xi32, #tpu.memory_space<hbm>>
        %dma_wait3A_109 = tpu.memref_squeeze %dma_wait3A_108 : memref<1x2x100xi32, #tpu.memory_space<hbm>> -> memref<2x100xi32, #tpu.memory_space<hbm>>
        tpu.wait_dma2 semaphore(%run_scoped3A : memref<!tpu.dma_semaphore, #tpu.memory_space<semaphore_mem>>) src(%dma_wait3A_109 : memref<2x100xi32, #tpu.memory_space<hbm>>) dst(%arg11 : memref<2x100xi32, #tpu.memory_space<vmem>>)
        tpu.yield
      }) : () -> ()
      %dma_start3A = arith.constant 0 : i32
      %dma_start3A_10 = arith.constant 0 : i32
      %dma_start3A_11 = arith.constant 0 : i32
      %dma_start3A_12 = tpu.memref_slice %arg12[%dma_start3A_10, %dma_start3A_11] : memref<200x64xf32, #tpu.memory_space<vmem>> -> memref<100x64xf32, #tpu.memory_space<vmem>>
      %dma_start3A_13 = arith.constant 0 : i32
      %dma_start3A_14 = tpu.memref_slice %arg10[%dma_start3A, %dma_start3A_13] : memref<2x100xi32, #tpu.memory_space<vmem>> -> memref<1x100xi32, #tpu.memory_space<vmem>>
      %dma_start3A_15 = tpu.memref_squeeze %dma_start3A_14 : memref<1x100xi32, #tpu.memory_space<vmem>> -> memref<100xi32, #tpu.memory_space<vmem>>
      %dma_start3A_16 = arith.constant 0 : i32
      %dma_start3A_17 = arith.constant 0 : i32
      %dma_start3A_18 = tpu.memref_slice %arg4[%dma_start3A_16, %dma_start3A_17] : memref<1000000x64xf32, #tpu.memory_space<hbm>> -> memref<1000000x64xf32, #tpu.memory_space<hbm>>
      tpu.enqueue_indirect_dma source(%dma_start3A_18 : memref<1000000x64xf32, #tpu.memory_space<hbm>>) target(%dma_start3A_12 : memref<100x64xf32, #tpu.memory_space<vmem>>) offsets(%dma_start3A_15 : memref<100xi32, #tpu.memory_space<vmem>>) semaphore(%arg18 : memref<!tpu.dma_semaphore, #tpu.memory_space<semaphore_mem>>)
      %dma_start3A_19 = arith.constant 1 : i32
      %dma_start3A_20 = arith.constant 100 : i32
      %dma_start3A_21 = arith.constant 0 : i32
      %dma_start3A_22 = tpu.memref_slice %arg12[%dma_start3A_20, %dma_start3A_21] : memref<200x64xf32, #tpu.memory_space<vmem>> -> memref<100x64xf32, #tpu.memory_space<vmem>>
      %dma_start3A_23 = arith.constant 0 : i32
      %dma_start3A_24 = tpu.memref_slice %arg10[%dma_start3A_19, %dma_start3A_23] : memref<2x100xi32, #tpu.memory_space<vmem>> -> memref<1x100xi32, #tpu.memory_space<vmem>>
      %dma_start3A_25 = tpu.memref_squeeze %dma_start3A_24 : memref<1x100xi32, #tpu.memory_space<vmem>> -> memref<100xi32, #tpu.memory_space<vmem>>
      %dma_start3A_26 = arith.constant 0 : i32
      %dma_start3A_27 = arith.constant 0 : i32
      %dma_start3A_28 = tpu.memref_slice %arg4[%dma_start3A_26, %dma_start3A_27] : memref<1000000x64xf32, #tpu.memory_space<hbm>> -> memref<1000000x64xf32, #tpu.memory_space<hbm>>
      tpu.enqueue_indirect_dma source(%dma_start3A_28 : memref<1000000x64xf32, #tpu.memory_space<hbm>>) target(%dma_start3A_22 : memref<100x64xf32, #tpu.memory_space<vmem>>) offsets(%dma_start3A_25 : memref<100xi32, #tpu.memory_space<vmem>>) semaphore(%arg18 : memref<!tpu.dma_semaphore, #tpu.memory_space<semaphore_mem>>)
      %dma_start3A_29 = arith.constant 0 : i32
      %dma_start3A_30 = arith.constant 0 : i32
      %dma_start3A_31 = arith.constant 0 : i32
      %dma_start3A_32 = tpu.memref_slice %arg13[%dma_start3A_30, %dma_start3A_31] : memref<200x64xf32, #tpu.memory_space<vmem>> -> memref<100x64xf32, #tpu.memory_space<vmem>>
      %dma_start3A_33 = arith.constant 0 : i32
      %dma_start3A_34 = tpu.memref_slice %arg11[%dma_start3A_29, %dma_start3A_33] : memref<2x100xi32, #tpu.memory_space<vmem>> -> memref<1x100xi32, #tpu.memory_space<vmem>>
      %dma_start3A_35 = tpu.memref_squeeze %dma_start3A_34 : memref<1x100xi32, #tpu.memory_space<vmem>> -> memref<100xi32, #tpu.memory_space<vmem>>
      %dma_start3A_36 = arith.constant 0 : i32
      %dma_start3A_37 = arith.constant 0 : i32
      %dma_start3A_38 = tpu.memref_slice %arg5[%dma_start3A_36, %dma_start3A_37] : memref<86404x64xf32, #tpu.memory_space<hbm>> -> memref<86404x64xf32, #tpu.memory_space<hbm>>
      tpu.enqueue_indirect_dma source(%dma_start3A_38 : memref<86404x64xf32, #tpu.memory_space<hbm>>) target(%dma_start3A_32 : memref<100x64xf32, #tpu.memory_space<vmem>>) offsets(%dma_start3A_35 : memref<100xi32, #tpu.memory_space<vmem>>) semaphore(%arg18 : memref<!tpu.dma_semaphore, #tpu.memory_space<semaphore_mem>>)
      %dma_start3A_39 = arith.constant 1 : i32
      %dma_start3A_40 = arith.constant 100 : i32
      %dma_start3A_41 = arith.constant 0 : i32
      %dma_start3A_42 = tpu.memref_slice %arg13[%dma_start3A_40, %dma_start3A_41] : memref<200x64xf32, #tpu.memory_space<vmem>> -> memref<100x64xf32, #tpu.memory_space<vmem>>
      %dma_start3A_43 = arith.constant 0 : i32
      %dma_start3A_44 = tpu.memref_slice %arg11[%dma_start3A_39, %dma_start3A_43] : memref<2x100xi32, #tpu.memory_space<vmem>> -> memref<1x100xi32, #tpu.memory_space<vmem>>
      %dma_start3A_45 = tpu.memref_squeeze %dma_start3A_44 : memref<1x100xi32, #tpu.memory_space<vmem>> -> memref<100xi32, #tpu.memory_space<vmem>>
      %dma_start3A_46 = arith.constant 0 : i32
      %dma_start3A_47 = arith.constant 0 : i32
      %dma_start3A_48 = tpu.memref_slice %arg5[%dma_start3A_46, %dma_start3A_47] : memref<86404x64xf32, #tpu.memory_space<hbm>> -> memref<86404x64xf32, #tpu.memory_space<hbm>>
      tpu.enqueue_indirect_dma source(%dma_start3A_48 : memref<86404x64xf32, #tpu.memory_space<hbm>>) target(%dma_start3A_42 : memref<100x64xf32, #tpu.memory_space<vmem>>) offsets(%dma_start3A_45 : memref<100xi32, #tpu.memory_space<vmem>>) semaphore(%arg18 : memref<!tpu.dma_semaphore, #tpu.memory_space<semaphore_mem>>)
      %dma_wait3A = arith.constant 0 : i32
      %dma_wait3A_49 = arith.constant 0 : i32
      %dma_wait3A_50 = arith.constant 0 : i32
      %dma_wait3A_51 = tpu.memref_slice %arg12[%dma_wait3A_49, %dma_wait3A_50] : memref<200x64xf32, #tpu.memory_space<vmem>> -> memref<100x64xf32, #tpu.memory_space<vmem>>
      %dma_wait3A_52 = arith.constant 0 : i32
      %dma_wait3A_53 = tpu.memref_slice %arg10[%dma_wait3A, %dma_wait3A_52] : memref<2x100xi32, #tpu.memory_space<vmem>> -> memref<1x100xi32, #tpu.memory_space<vmem>>
      %dma_wait3A_54 = tpu.memref_squeeze %dma_wait3A_53 : memref<1x100xi32, #tpu.memory_space<vmem>> -> memref<100xi32, #tpu.memory_space<vmem>>
      %dma_wait3A_55 = arith.constant 0 : i32
      %dma_wait3A_56 = arith.constant 0 : i32
      %dma_wait3A_57 = tpu.memref_slice %arg4[%dma_wait3A_55, %dma_wait3A_56] : memref<1000000x64xf32, #tpu.memory_space<hbm>> -> memref<1000000x64xf32, #tpu.memory_space<hbm>>
      tpu.wait_indirect_dma semaphore(%arg18 : memref<!tpu.dma_semaphore, #tpu.memory_space<semaphore_mem>>) src(%dma_wait3A_57 : memref<1000000x64xf32, #tpu.memory_space<hbm>>) dst(%dma_wait3A_51 : memref<100x64xf32, #tpu.memory_space<vmem>>)
      %dma_wait3A_58 = arith.constant 1 : i32
      %dma_wait3A_59 = arith.constant 100 : i32
      %dma_wait3A_60 = arith.constant 0 : i32
      %dma_wait3A_61 = tpu.memref_slice %arg12[%dma_wait3A_59, %dma_wait3A_60] : memref<200x64xf32, #tpu.memory_space<vmem>> -> memref<100x64xf32, #tpu.memory_space<vmem>>
      %dma_wait3A_62 = arith.constant 0 : i32
      %dma_wait3A_63 = tpu.memref_slice %arg10[%dma_wait3A_58, %dma_wait3A_62] : memref<2x100xi32, #tpu.memory_space<vmem>> -> memref<1x100xi32, #tpu.memory_space<vmem>>
      %dma_wait3A_64 = tpu.memref_squeeze %dma_wait3A_63 : memref<1x100xi32, #tpu.memory_space<vmem>> -> memref<100xi32, #tpu.memory_space<vmem>>
      %dma_wait3A_65 = arith.constant 0 : i32
      %dma_wait3A_66 = arith.constant 0 : i32
      %dma_wait3A_67 = tpu.memref_slice %arg4[%dma_wait3A_65, %dma_wait3A_66] : memref<1000000x64xf32, #tpu.memory_space<hbm>> -> memref<1000000x64xf32, #tpu.memory_space<hbm>>
      tpu.wait_indirect_dma semaphore(%arg18 : memref<!tpu.dma_semaphore, #tpu.memory_space<semaphore_mem>>) src(%dma_wait3A_67 : memref<1000000x64xf32, #tpu.memory_space<hbm>>) dst(%dma_wait3A_61 : memref<100x64xf32, #tpu.memory_space<vmem>>)
      %dma_wait3A_68 = arith.constant 0 : i32
      %dma_wait3A_69 = arith.constant 0 : i32
      %dma_wait3A_70 = arith.constant 0 : i32
      %dma_wait3A_71 = tpu.memref_slice %arg13[%dma_wait3A_69, %dma_wait3A_70] : memref<200x64xf32, #tpu.memory_space<vmem>> -> memref<100x64xf32, #tpu.memory_space<vmem>>
      %dma_wait3A_72 = arith.constant 0 : i32
      %dma_wait3A_73 = tpu.memref_slice %arg11[%dma_wait3A_68, %dma_wait3A_72] : memref<2x100xi32, #tpu.memory_space<vmem>> -> memref<1x100xi32, #tpu.memory_space<vmem>>
      %dma_wait3A_74 = tpu.memref_squeeze %dma_wait3A_73 : memref<1x100xi32, #tpu.memory_space<vmem>> -> memref<100xi32, #tpu.memory_space<vmem>>
      %dma_wait3A_75 = arith.constant 0 : i32
      %dma_wait3A_76 = arith.constant 0 : i32
      %dma_wait3A_77 = tpu.memref_slice %arg5[%dma_wait3A_75, %dma_wait3A_76] : memref<86404x64xf32, #tpu.memory_space<hbm>> -> memref<86404x64xf32, #tpu.memory_space<hbm>>
      tpu.wait_indirect_dma semaphore(%arg18 : memref<!tpu.dma_semaphore, #tpu.memory_space<semaphore_mem>>) src(%dma_wait3A_77 : memref<86404x64xf32, #tpu.memory_space<hbm>>) dst(%dma_wait3A_71 : memref<100x64xf32, #tpu.memory_space<vmem>>)
      %dma_wait3A_78 = arith.constant 1 : i32
      %dma_wait3A_79 = arith.constant 100 : i32
      %dma_wait3A_80 = arith.constant 0 : i32
      %dma_wait3A_81 = tpu.memref_slice %arg13[%dma_wait3A_79, %dma_wait3A_80] : memref<200x64xf32, #tpu.memory_space<vmem>> -> memref<100x64xf32, #tpu.memory_space<vmem>>
      %dma_wait3A_82 = arith.constant 0 : i32
      %dma_wait3A_83 = tpu.memref_slice %arg11[%dma_wait3A_78, %dma_wait3A_82] : memref<2x100xi32, #tpu.memory_space<vmem>> -> memref<1x100xi32, #tpu.memory_space<vmem>>
      %dma_wait3A_84 = tpu.memref_squeeze %dma_wait3A_83 : memref<1x100xi32, #tpu.memory_space<vmem>> -> memref<100xi32, #tpu.memory_space<vmem>>
      %dma_wait3A_85 = arith.constant 0 : i32
      %dma_wait3A_86 = arith.constant 0 : i32
      %dma_wait3A_87 = tpu.memref_slice %arg5[%dma_wait3A_85, %dma_wait3A_86] : memref<86404x64xf32, #tpu.memory_space<hbm>> -> memref<86404x64xf32, #tpu.memory_space<hbm>>
      tpu.wait_indirect_dma semaphore(%arg18 : memref<!tpu.dma_semaphore, #tpu.memory_space<semaphore_mem>>) src(%dma_wait3A_87 : memref<86404x64xf32, #tpu.memory_space<hbm>>) dst(%dma_wait3A_81 : memref<100x64xf32, #tpu.memory_space<vmem>>)
      %iota3A = tpu.iota {dimensions = array<i32: 0>} : vector<16xi32>
      %scan3A_88 = arith.constant 0 : i32
      %scan3A_89 = arith.constant 0 : i32
      %scan3A_90 = arith.constant 200 : i32
      %scan3A_91 = arith.addi %scan3A_89, %scan3A_90 : i32
      %scan3A_92 = arith.constant 1 : i32
      scf.for %scan3A_94 = %scan3A_89 to %scan3A_91 step %scan3A_92  : i32 {
        %get3A = arith.index_cast %scan3A_94 : i32 to index
        %get3A_95 = arith.constant 0 : index
        %get3A_96 = tpu.vector_load %arg12[%get3A, %get3A_95] {strides = array<i32>} : memref<200x64xf32, #tpu.memory_space<vmem>>, vector<1x16xf32>,
        %get3A_97 = vector.shape_cast %get3A_96 : vector<1x16xf32> to vector<16xf32>
        %get3A_98 = arith.index_cast %scan3A_94 : i32 to index
        %get3A_99 = arith.constant 0 : index
        %get3A_100 = tpu.vector_load %arg13[%get3A_98, %get3A_99] {strides = array<i32>} : memref<200x64xf32, #tpu.memory_space<vmem>>, vector<1x16xf32>,
        %get3A_101 = vector.shape_cast %get3A_100 : vector<1x16xf32> to vector<16xf32>
        %add3A_102 = arith.addf %get3A_97, %get3A_101 : vector<16xf32>
        %get3A_103 = arith.index_cast %scan3A_94 : i32 to index
        %get3A_104 = arith.constant 0 : index
        %get3A_105 = tpu.vector_load %arg15[%get3A_103, %get3A_104] {strides = array<i32>} : memref<200x64xf32, #tpu.memory_space<vmem>>, vector<1x16xf32>,
        %get3A_106 = vector.shape_cast %get3A_105 : vector<1x16xf32> to vector<16xf32>
        %add3A_107 = arith.addf %add3A_102, %get3A_106 : vector<16xf32>
        %get3A_108 = arith.index_cast %scan3A_94 : i32 to index
        %get3A_109 = arith.constant 16 : index
        %get3A_110 = tpu.vector_load %arg12[%get3A_108, %get3A_109] {strides = array<i32>} : memref<200x64xf32, #tpu.memory_space<vmem>>, vector<1x16xf32>,
        %get3A_111 = vector.shape_cast %get3A_110 : vector<1x16xf32> to vector<16xf32>
        %get3A_112 = arith.index_cast %scan3A_94 : i32 to index
        %get3A_113 = arith.constant 16 : index
        %get3A_114 = tpu.vector_load %arg13[%get3A_112, %get3A_113] {strides = array<i32>} : memref<200x64xf32, #tpu.memory_space<vmem>>, vector<1x16xf32>,
        %get3A_115 = vector.shape_cast %get3A_114 : vector<1x16xf32> to vector<16xf32>
        %add3A_116 = arith.addf %get3A_111, %get3A_115 : vector<16xf32>
        %get3A_117 = arith.index_cast %scan3A_94 : i32 to index
        %get3A_118 = arith.constant 16 : index
        %get3A_119 = tpu.vector_load %arg15[%get3A_117, %get3A_118] {strides = array<i32>} : memref<200x64xf32, #tpu.memory_space<vmem>>, vector<1x16xf32>,
        %get3A_120 = vector.shape_cast %get3A_119 : vector<1x16xf32> to vector<16xf32>
        %add3A_121 = arith.addf %add3A_116, %get3A_120 : vector<16xf32>
        %get3A_122 = arith.index_cast %scan3A_94 : i32 to index
        %get3A_123 = arith.constant 32 : index
        %get3A_124 = tpu.vector_load %arg12[%get3A_122, %get3A_123] {strides = array<i32>} : memref<200x64xf32, #tpu.memory_space<vmem>>, vector<1x16xf32>,
        %get3A_125 = vector.shape_cast %get3A_124 : vector<1x16xf32> to vector<16xf32>
        %get3A_126 = arith.index_cast %scan3A_94 : i32 to index
        %get3A_127 = arith.constant 32 : index
        %get3A_128 = tpu.vector_load %arg13[%get3A_126, %get3A_127] {strides = array<i32>} : memref<200x64xf32, #tpu.memory_space<vmem>>, vector<1x16xf32>,
        %get3A_129 = vector.shape_cast %get3A_128 : vector<1x16xf32> to vector<16xf32>
        %add3A_130 = arith.addf %get3A_125, %get3A_129 : vector<16xf32>
        %get3A_131 = arith.index_cast %scan3A_94 : i32 to index
        %get3A_132 = arith.constant 32 : index
        %get3A_133 = tpu.vector_load %arg15[%get3A_131, %get3A_132] {strides = array<i32>} : memref<200x64xf32, #tpu.memory_space<vmem>>, vector<1x16xf32>,
        %get3A_134 = vector.shape_cast %get3A_133 : vector<1x16xf32> to vector<16xf32>
        %add3A_135 = arith.addf %add3A_130, %get3A_134 : vector<16xf32>
        %get3A_136 = arith.index_cast %scan3A_94 : i32 to index
        %get3A_137 = arith.constant 48 : index
        %get3A_138 = tpu.vector_load %arg12[%get3A_136, %get3A_137] {strides = array<i32>} : memref<200x64xf32, #tpu.memory_space<vmem>>, vector<1x16xf32>,
        %get3A_139 = vector.shape_cast %get3A_138 : vector<1x16xf32> to vector<16xf32>
        %get3A_140 = arith.index_cast %scan3A_94 : i32 to index
        %get3A_141 = arith.constant 48 : index
        %get3A_142 = tpu.vector_load %arg13[%get3A_140, %get3A_141] {strides = array<i32>} : memref<200x64xf32, #tpu.memory_space<vmem>>, vector<1x16xf32>,
        %get3A_143 = vector.shape_cast %get3A_142 : vector<1x16xf32> to vector<16xf32>
        %add3A_144 = arith.addf %get3A_139, %get3A_143 : vector<16xf32>
        %get3A_145 = arith.index_cast %scan3A_94 : i32 to index
        %get3A_146 = arith.constant 48 : index
        %get3A_147 = tpu.vector_load %arg15[%get3A_145, %get3A_146] {strides = array<i32>} : memref<200x64xf32, #tpu.memory_space<vmem>>, vector<1x16xf32>,
        %get3A_148 = vector.shape_cast %get3A_147 : vector<1x16xf32> to vector<16xf32>
        %add3A_149 = arith.addf %add3A_144, %get3A_148 : vector<16xf32>
        %add3A_150 = arith.addf %add3A_107, %add3A_121 : vector<16xf32>
        %add3A_151 = arith.addf %add3A_135, %add3A_149 : vector<16xf32>
        %add3A_152 = arith.addf %add3A_150, %add3A_151 : vector<16xf32>
        %mul3A_153 = arith.mulf %add3A_107, %add3A_107 : vector<16xf32>
        %mul3A_154 = arith.mulf %add3A_121, %add3A_121 : vector<16xf32>
        %add3A_155 = arith.addf %mul3A_153, %mul3A_154 : vector<16xf32>
        %mul3A_156 = arith.mulf %add3A_135, %add3A_135 : vector<16xf32>
        %mul3A_157 = arith.mulf %add3A_149, %add3A_149 : vector<16xf32>
        %add3A_158 = arith.addf %mul3A_156, %mul3A_157 : vector<16xf32>
        %add3A_159 = arith.addf %add3A_155, %add3A_158 : vector<16xf32>
        %xor3A = arith.constant 1 : i32
        %xor3A_160 = vector.broadcast %xor3A : i32 to vector<16xi32>
        %xor3A_161 = arith.xori %iota3A, %xor3A_160 : vector<16xi32>
        %reshape3A = vector.shape_cast %xor3A_161 : vector<16xi32> to vector<16x1xi32>
        %gather3A = vector.shape_cast %reshape3A : vector<16x1xi32> to vector<16xi32>
        %gather3A_162 = tpu.dynamic_gather %add3A_152[%gather3A] in [0] : vector<16xf32>, vector<16xi32> -> vector<16xf32>
        %add3A_163 = arith.addf %add3A_152, %gather3A_162 : vector<16xf32>
        %reshape3A_164 = vector.shape_cast %xor3A_161 : vector<16xi32> to vector<16x1xi32>
        %gather3A_165 = vector.shape_cast %reshape3A_164 : vector<16x1xi32> to vector<16xi32>
        %gather3A_166 = tpu.dynamic_gather %add3A_159[%gather3A_165] in [0] : vector<16xf32>, vector<16xi32> -> vector<16xf32>
        %add3A_167 = arith.addf %add3A_159, %gather3A_166 : vector<16xf32>
        %xor3A_168 = arith.constant 2 : i32
        %xor3A_169 = vector.broadcast %xor3A_168 : i32 to vector<16xi32>
        %xor3A_170 = arith.xori %iota3A, %xor3A_169 : vector<16xi32>
        %reshape3A_171 = vector.shape_cast %xor3A_170 : vector<16xi32> to vector<16x1xi32>
        %gather3A_172 = vector.shape_cast %reshape3A_171 : vector<16x1xi32> to vector<16xi32>
        %gather3A_173 = tpu.dynamic_gather %add3A_163[%gather3A_172] in [0] : vector<16xf32>, vector<16xi32> -> vector<16xf32>
        %add3A_174 = arith.addf %add3A_163, %gather3A_173 : vector<16xf32>
        %reshape3A_175 = vector.shape_cast %xor3A_170 : vector<16xi32> to vector<16x1xi32>
        %gather3A_176 = vector.shape_cast %reshape3A_175 : vector<16x1xi32> to vector<16xi32>
        %gather3A_177 = tpu.dynamic_gather %add3A_167[%gather3A_176] in [0] : vector<16xf32>, vector<16xi32> -> vector<16xf32>
        %add3A_178 = arith.addf %add3A_167, %gather3A_177 : vector<16xf32>
        %xor3A_179 = arith.constant 4 : i32
        %xor3A_180 = vector.broadcast %xor3A_179 : i32 to vector<16xi32>
        %xor3A_181 = arith.xori %iota3A, %xor3A_180 : vector<16xi32>
        %reshape3A_182 = vector.shape_cast %xor3A_181 : vector<16xi32> to vector<16x1xi32>
        %gather3A_183 = vector.shape_cast %reshape3A_182 : vector<16x1xi32> to vector<16xi32>
        %gather3A_184 = tpu.dynamic_gather %add3A_174[%gather3A_183] in [0] : vector<16xf32>, vector<16xi32> -> vector<16xf32>
        %add3A_185 = arith.addf %add3A_174, %gather3A_184 : vector<16xf32>
        %reshape3A_186 = vector.shape_cast %xor3A_181 : vector<16xi32> to vector<16x1xi32>
        %gather3A_187 = vector.shape_cast %reshape3A_186 : vector<16x1xi32> to vector<16xi32>
        %gather3A_188 = tpu.dynamic_gather %add3A_178[%gather3A_187] in [0] : vector<16xf32>, vector<16xi32> -> vector<16xf32>
        %add3A_189 = arith.addf %add3A_178, %gather3A_188 : vector<16xf32>
        %xor3A_190 = arith.constant 8 : i32
        %xor3A_191 = vector.broadcast %xor3A_190 : i32 to vector<16xi32>
        %xor3A_192 = arith.xori %iota3A, %xor3A_191 : vector<16xi32>
        %reshape3A_193 = vector.shape_cast %xor3A_192 : vector<16xi32> to vector<16x1xi32>
        %gather3A_194 = vector.shape_cast %reshape3A_193 : vector<16x1xi32> to vector<16xi32>
        %gather3A_195 = tpu.dynamic_gather %add3A_185[%gather3A_194] in [0] : vector<16xf32>, vector<16xi32> -> vector<16xf32>
        %add3A_196 = arith.addf %add3A_185, %gather3A_195 : vector<16xf32>
        %reshape3A_197 = vector.shape_cast %xor3A_192 : vector<16xi32> to vector<16x1xi32>
        %gather3A_198 = vector.shape_cast %reshape3A_197 : vector<16x1xi32> to vector<16xi32>
        %gather3A_199 = tpu.dynamic_gather %add3A_189[%gather3A_198] in [0] : vector<16xf32>, vector<16xi32> -> vector<16xf32>
        %add3A_200 = arith.addf %add3A_189, %gather3A_199 : vector<16xf32>
        %mul3A_201 = arith.constant 1.562500e-02 : f32
        %mul3A_202 = vector.broadcast %mul3A_201 : f32 to vector<16xf32>
        %mul3A_203 = arith.mulf %add3A_196, %mul3A_202 : vector<16xf32>
        %mul3A_204 = arith.constant 1.562500e-02 : f32
        %mul3A_205 = vector.broadcast %mul3A_204 : f32 to vector<16xf32>
        %mul3A_206 = arith.mulf %add3A_200, %mul3A_205 : vector<16xf32>
        %mul3A_207 = arith.mulf %mul3A_203, %mul3A_203 : vector<16xf32>
        %sub3A = arith.subf %mul3A_206, %mul3A_207 : vector<16xf32>
        %add3A_208 = arith.constant 9.99999974E-6 : f32
        %add3A_209 = vector.broadcast %add3A_208 : f32 to vector<16xf32>
        %add3A_210 = arith.addf %sub3A, %add3A_209 : vector<16xf32>
        %bitcast_convert_type3A = tpu.bitcast %add3A_210 : vector<16xf32> -> vector<16xi32>
        %shift_right_arithmetic3A = arith.constant 1 : i32
        %shift_right_arithmetic3A_211 = vector.broadcast %shift_right_arithmetic3A : i32 to vector<16xi32>
        %shift_right_arithmetic3A_212 = arith.shrsi %bitcast_convert_type3A, %shift_right_arithmetic3A_211 : vector<16xi32>
        %sub3A_213 = arith.constant 1597463007 : i32
        %sub3A_214 = vector.broadcast %sub3A_213 : i32 to vector<16xi32>
        %sub3A_215 = arith.subi %sub3A_214, %shift_right_arithmetic3A_212 : vector<16xi32>
        %bitcast_convert_type3A_216 = tpu.bitcast %sub3A_215 : vector<16xi32> -> vector<16xf32>
        %mul3A_217 = arith.constant 5.000000e-01 : f32
        %mul3A_218 = vector.broadcast %mul3A_217 : f32 to vector<16xf32>
        %mul3A_219 = arith.mulf %add3A_210, %mul3A_218 : vector<16xf32>
        %mul3A_220 = arith.mulf %mul3A_219, %bitcast_convert_type3A_216 : vector<16xf32>
        %mul3A_221 = arith.mulf %mul3A_220, %bitcast_convert_type3A_216 : vector<16xf32>
        %sub3A_222 = arith.constant 1.500000e+00 : f32
        %sub3A_223 = vector.broadcast %sub3A_222 : f32 to vector<16xf32>
        %sub3A_224 = arith.subf %sub3A_223, %mul3A_221 : vector<16xf32>
        %mul3A_225 = arith.mulf %bitcast_convert_type3A_216, %sub3A_224 : vector<16xf32>
        %mul3A_226 = arith.mulf %mul3A_219, %mul3A_225 : vector<16xf32>
        %mul3A_227 = arith.mulf %mul3A_226, %mul3A_225 : vector<16xf32>
        %sub3A_228 = arith.constant 1.500000e+00 : f32
        %sub3A_229 = vector.broadcast %sub3A_228 : f32 to vector<16xf32>
        %sub3A_230 = arith.subf %sub3A_229, %mul3A_227 : vector<16xf32>
        %mul3A_231 = arith.mulf %mul3A_225, %sub3A_230 : vector<16xf32>
        %mul3A_232 = arith.mulf %mul3A_219, %mul3A_231 : vector<16xf32>
        %mul3A_233 = arith.mulf %mul3A_232, %mul3A_231 : vector<16xf32>
        %sub3A_234 = arith.constant 1.500000e+00 : f32
        %sub3A_235 = vector.broadcast %sub3A_234 : f32 to vector<16xf32>
        %sub3A_236 = arith.subf %sub3A_235, %mul3A_233 : vector<16xf32>
        %mul3A_237 = arith.mulf %mul3A_231, %sub3A_236 : vector<16xf32>
        %get3A_238 = arith.constant 0 : index
        %get3A_239 = tpu.vector_load %arg16[%get3A_238] {strides = array<i32>} : memref<64xf32, #tpu.memory_space<vmem>>, vector<16xf32>,
        %get3A_240 = vector.shape_cast %get3A_239 : vector<16xf32> to vector<16xf32>
        %get3A_241 = arith.constant 0 : index
        %get3A_242 = tpu.vector_load %arg17[%get3A_241] {strides = array<i32>} : memref<64xf32, #tpu.memory_space<vmem>>, vector<16xf32>,
        %get3A_243 = vector.shape_cast %get3A_242 : vector<16xf32> to vector<16xf32>
        %sub3A_244 = arith.subf %add3A_107, %mul3A_203 : vector<16xf32>
        %mul3A_245 = arith.mulf %sub3A_244, %mul3A_237 : vector<16xf32>
        %mul3A_246 = arith.mulf %mul3A_245, %get3A_240 : vector<16xf32>
        %add3A_247 = arith.addf %mul3A_246, %get3A_243 : vector<16xf32>
        %swap3A = arith.index_cast %scan3A_94 : i32 to index
        %swap3A_248 = arith.constant 0 : index
        %swap3A_249 = tpu.vector_load %arg14[%swap3A, %swap3A_248] {strides = array<i32>} : memref<200x64xf32, #tpu.memory_space<vmem>>, vector<1x16xf32>,
        %swap3A_250 = vector.shape_cast %swap3A_249 : vector<1x16xf32> to vector<16xf32>
        %swap3A_251 = vector.shape_cast %add3A_247 : vector<16xf32> to vector<1x16xf32>
        tpu.vector_store %arg14[%swap3A, %swap3A_248], %swap3A_251 {strides = array<i32>} : memref<200x64xf32, #tpu.memory_space<vmem>>, vector<1x16xf32>,
        %get3A_252 = arith.constant 16 : index
        %get3A_253 = tpu.vector_load %arg16[%get3A_252] {strides = array<i32>} : memref<64xf32, #tpu.memory_space<vmem>>, vector<16xf32>,
        %get3A_254 = vector.shape_cast %get3A_253 : vector<16xf32> to vector<16xf32>
        %get3A_255 = arith.constant 16 : index
        %get3A_256 = tpu.vector_load %arg17[%get3A_255] {strides = array<i32>} : memref<64xf32, #tpu.memory_space<vmem>>, vector<16xf32>,
        %get3A_257 = vector.shape_cast %get3A_256 : vector<16xf32> to vector<16xf32>
        %sub3A_258 = arith.subf %add3A_121, %mul3A_203 : vector<16xf32>
        %mul3A_259 = arith.mulf %sub3A_258, %mul3A_237 : vector<16xf32>
        %mul3A_260 = arith.mulf %mul3A_259, %get3A_254 : vector<16xf32>
        %add3A_261 = arith.addf %mul3A_260, %get3A_257 : vector<16xf32>
        %swap3A_262 = arith.index_cast %scan3A_94 : i32 to index
        %swap3A_263 = arith.constant 16 : index
        %swap3A_264 = tpu.vector_load %arg14[%swap3A_262, %swap3A_263] {strides = array<i32>} : memref<200x64xf32, #tpu.memory_space<vmem>>, vector<1x16xf32>,
        %swap3A_265 = vector.shape_cast %swap3A_264 : vector<1x16xf32> to vector<16xf32>
        %swap3A_266 = vector.shape_cast %add3A_261 : vector<16xf32> to vector<1x16xf32>
        tpu.vector_store %arg14[%swap3A_262, %swap3A_263], %swap3A_266 {strides = array<i32>} : memref<200x64xf32, #tpu.memory_space<vmem>>, vector<1x16xf32>,
        %get3A_267 = arith.constant 32 : index
        %get3A_268 = tpu.vector_load %arg16[%get3A_267] {strides = array<i32>} : memref<64xf32, #tpu.memory_space<vmem>>, vector<16xf32>,
        %get3A_269 = vector.shape_cast %get3A_268 : vector<16xf32> to vector<16xf32>
        %get3A_270 = arith.constant 32 : index
        %get3A_271 = tpu.vector_load %arg17[%get3A_270] {strides = array<i32>} : memref<64xf32, #tpu.memory_space<vmem>>, vector<16xf32>,
        %get3A_272 = vector.shape_cast %get3A_271 : vector<16xf32> to vector<16xf32>
        %sub3A_273 = arith.subf %add3A_135, %mul3A_203 : vector<16xf32>
        %mul3A_274 = arith.mulf %sub3A_273, %mul3A_237 : vector<16xf32>
        %mul3A_275 = arith.mulf %mul3A_274, %get3A_269 : vector<16xf32>
        %add3A_276 = arith.addf %mul3A_275, %get3A_272 : vector<16xf32>
        %swap3A_277 = arith.index_cast %scan3A_94 : i32 to index
        %swap3A_278 = arith.constant 32 : index
        %swap3A_279 = tpu.vector_load %arg14[%swap3A_277, %swap3A_278] {strides = array<i32>} : memref<200x64xf32, #tpu.memory_space<vmem>>, vector<1x16xf32>,
        %swap3A_280 = vector.shape_cast %swap3A_279 : vector<1x16xf32> to vector<16xf32>
        %swap3A_281 = vector.shape_cast %add3A_276 : vector<16xf32> to vector<1x16xf32>
        tpu.vector_store %arg14[%swap3A_277, %swap3A_278], %swap3A_281 {strides = array<i32>} : memref<200x64xf32, #tpu.memory_space<vmem>>, vector<1x16xf32>,
        %get3A_282 = arith.constant 48 : index
        %get3A_283 = tpu.vector_load %arg16[%get3A_282] {strides = array<i32>} : memref<64xf32, #tpu.memory_space<vmem>>, vector<16xf32>,
        %get3A_284 = vector.shape_cast %get3A_283 : vector<16xf32> to vector<16xf32>
        %get3A_285 = arith.constant 48 : index
        %get3A_286 = tpu.vector_load %arg17[%get3A_285] {strides = array<i32>} : memref<64xf32, #tpu.memory_space<vmem>>, vector<16xf32>,
        %get3A_287 = vector.shape_cast %get3A_286 : vector<16xf32> to vector<16xf32>
        %sub3A_288 = arith.subf %add3A_149, %mul3A_203 : vector<16xf32>
        %mul3A_289 = arith.mulf %sub3A_288, %mul3A_237 : vector<16xf32>
        %mul3A_290 = arith.mulf %mul3A_289, %get3A_284 : vector<16xf32>
        %add3A_291 = arith.addf %mul3A_290, %get3A_287 : vector<16xf32>
        %swap3A_292 = arith.index_cast %scan3A_94 : i32 to index
        %swap3A_293 = arith.constant 48 : index
        %swap3A_294 = tpu.vector_load %arg14[%swap3A_292, %swap3A_293] {strides = array<i32>} : memref<200x64xf32, #tpu.memory_space<vmem>>, vector<1x16xf32>,
        %swap3A_295 = vector.shape_cast %swap3A_294 : vector<1x16xf32> to vector<16xf32>
        %swap3A_296 = vector.shape_cast %add3A_291 : vector<16xf32> to vector<1x16xf32>
        tpu.vector_store %arg14[%swap3A_292, %swap3A_293], %swap3A_296 {strides = array<i32>} : memref<200x64xf32, #tpu.memory_space<vmem>>, vector<1x16xf32>,
      }
      %scan3A_93 = arith.constant 200 : i32
      "tpu.region"() ({
        %run_scoped3A = tpu.sem_alloc : memref<!tpu.dma_semaphore, #tpu.memory_space<semaphore_mem>>
        %dma_start3A_94 = arith.constant 0 : i32
        %dma_start3A_95 = arith.constant 0 : i32
        %dma_start3A_96 = tpu.memref_slice %arg9[%add3A_9, %dma_start3A_94, %dma_start3A_95] : memref<4096x200x64xf32, #tpu.memory_space<hbm>> -> memref<1x200x64xf32, #tpu.memory_space<hbm>>
        %dma_start3A_97 = tpu.memref_squeeze %dma_start3A_96 : memref<1x200x64xf32, #tpu.memory_space<hbm>> -> memref<200x64xf32, #tpu.memory_space<hbm>>
        %dma_start3A_98 = arith.constant 0 : i32
        %dma_start3A_99 = arith.constant 0 : i32
        %dma_start3A_100 = tpu.memref_slice %arg9[%add3A_9, %dma_start3A_98, %dma_start3A_99] : memref<4096x200x64xf32, #tpu.memory_space<hbm>> -> memref<1x200x64xf32, #tpu.memory_space<hbm>>
        %dma_start3A_101 = tpu.memref_squeeze %dma_start3A_100 : memref<1x200x64xf32, #tpu.memory_space<hbm>> -> memref<200x64xf32, #tpu.memory_space<hbm>>
        tpu.enqueue_dma source(%arg14 : memref<200x64xf32, #tpu.memory_space<vmem>>) target(%dma_start3A_101 : memref<200x64xf32, #tpu.memory_space<hbm>>) target_semaphore(%run_scoped3A : memref<!tpu.dma_semaphore, #tpu.memory_space<semaphore_mem>>)
        %dma_wait3A_102 = arith.constant 0 : i32
        %dma_wait3A_103 = arith.constant 0 : i32
        %dma_wait3A_104 = tpu.memref_slice %arg9[%add3A_9, %dma_wait3A_102, %dma_wait3A_103] : memref<4096x200x64xf32, #tpu.memory_space<hbm>> -> memref<1x200x64xf32, #tpu.memory_space<hbm>>
        %dma_wait3A_105 = tpu.memref_squeeze %dma_wait3A_104 : memref<1x200x64xf32, #tpu.memory_space<hbm>> -> memref<200x64xf32, #tpu.memory_space<hbm>>
        %dma_wait3A_106 = arith.constant 0 : i32
        %dma_wait3A_107 = arith.constant 0 : i32
        %dma_wait3A_108 = tpu.memref_slice %arg9[%add3A_9, %dma_wait3A_106, %dma_wait3A_107] : memref<4096x200x64xf32, #tpu.memory_space<hbm>> -> memref<1x200x64xf32, #tpu.memory_space<hbm>>
        %dma_wait3A_109 = tpu.memref_squeeze %dma_wait3A_108 : memref<1x200x64xf32, #tpu.memory_space<hbm>> -> memref<200x64xf32, #tpu.memory_space<hbm>>
        tpu.wait_dma2 semaphore(%run_scoped3A : memref<!tpu.dma_semaphore, #tpu.memory_space<semaphore_mem>>) src(%arg14 : memref<200x64xf32, #tpu.memory_space<vmem>>) dst(%dma_wait3A_109 : memref<200x64xf32, #tpu.memory_space<hbm>>)
        tpu.yield
      }) : () -> ()
    }
    %scan3A_7 = arith.constant 128 : i32
    return
  }
}

</mosaic_0001>

<sc_bundles>
// kernel: kernel.3.cloned.1.call-start
scs
__scs_entry_jumppad:
0x0: {  	(pc) =	sbr.rel $0x88, $3  }
0x1: {  	(tag) =	ssettag $0x0;
	lr =	simm.s32 $0x1  }
0x2: {  	[smem:$0x3F9B] =	sst lr;
	_ =	strace $0xD0000000  }
0x3: {  	_ = 	snop  }
0x4: {  	_ = 	snop  }
0x5: {  	_ = 	snop  }
0x6: {  	_ = 	snop  }
0x7: {  	_ = 	snop  }
__scs_overlays_trampoline_lowered:
0x8: {  	[smem:$0x3FAA] =	sst s0  }
0x9: {  	[smem:$0x3FAB] =	sst s1  }
0xa: {  	[smem:$0x3FAC] =	sst s2  }
0xb: {  	[smem:$0x3FAD] =	sst s3  }
0xc: {  	[smem:$0x3FAE] =	sst s4  }
0xd: {  	[smem:$0x3FAF] =	sst s5  }
0xe: {  	[smem:$0x3FB0] =	sst s6  }
0xf: {  	[smem:$0x3FB1] =	sst s7  }
0x10: {  	[smem:$0x3FB2] =	sst s8  }
0x11: {  	[smem:$0x3FB3] =	sst s9;
	s0 =	simm.s32 @!p0 $0x0  }
0x12: {  	s1 =	sld [smem:$0x3F99];
	s0 =	simm.s32 @p0 $0x1  }
0x13: {  	[smem:$0x3FB4] =	sst s0;
	s0 =	simm.s32 @!p1 $0x0  }
0x14: {  	s2 =	sld [smem:$0x3F98];
	s0 =	simm.s32 @p1 $0x1  }
0x15: {  	[smem:$0x3FB5] =	sst s0;
	s0 =	simm.s32 @!p2 $0x0  }
0x16: {  	s3 =	sld [smem:$0x3FDB];
	s0 =	simm.s32 @p2 $0x1  }
0x17: {  	s4 =	simm.s32 $0x1BF5;
	[smem:$0x3FB7] =	sst s0  }
0x18: {  	s0 =	sld [smem:$0x3F9A];
	_ =	swait.ge [sflag:s4], $0x0  }
0x19: {  	s7 =	sld [smem:$0x3F9B]  }
0x1a: {  	s8 =	sadd.s32 $0xFFFFE003, lr  }
0x1b: {  	s9 =	sadd.s32 $0xFFFFFEF7, lr;
	s5 =	simm.s32 $0xFFFFFFFF;
	p2 =	slt.u32 s8, $0xFFFFF086  }
0x1c: {  	p1 =	slt.u32 s9, $0xF7A;
	s5 =	simm.s32 @!p2 $0x0  }
0x1d: {  	s5 =	simm.s32 @p1 $0x1;
	p0 =	seq.s32 s7, s2  }
0x1e: {  	s7 =	smul.u32 @!p0 $0xF7A, s2;
	p2 =	seq.s32 @!p0 s5, $0x0  }
0x1f: {  	s9 =	smul.u32 $0xF7A, s1;
	s8 =	simm.s32 @!p0 $0x1BF5;
	p2 =	por !p2, p0  }
0x20: {  	[sflag:s8] =	ssyncset.s32 @!p0 $0xFFFFF086;
	s6 =	sadd.s32 @!p0 s3, s7;
	s7 =	simm.s32 @!p0 $0x108  }
0x21: {  	s3 =	sadd.s32 s3, s9;
	s6 =	sadd.s32 @!p0 $0x88, s6;
	s7 =	simm.s32 @p2 $0x1082  }
0x22: {  	[simem:s7], [sflag:s8] =	dma.local @!p0 [hbm:s6], $0xF7A  }
0x23: {  	s9 =	sor.u32 $0xD0000000, s2;
	s6 =	simm.s32 $0x108;
	_ =	swait.ge @!p0 [sflag:s8], $0x0  }
0x24: {  	s3 =	sadd.s32 $0x88, s3;
	s6 =	simm.s32 @!p1 $0x1082;
	[sflag:s4] =	ssyncset.s32 $0xFFFFF086  }
0x25: {  	[simem:s6], [sflag:s4] =	dma.local [hbm:s3], $0xF7A  }
0x26: {  	[smem:$0x3F9B] =	sst s1;
	(tag) =	ssettag s2;
	_ =	strace s9  }
0x27: {  	s1 =	sld [smem:$0x3FAB]  }
0x28: {  	s2 =	sld [smem:$0x3FAC]  }
0x29: {  	s4 =	sld [smem:$0x3FAE]  }
0x2a: {  	p0 =	seq.s32 s5, $0x0;
	s5 =	sld [smem:$0x3FAF]  }
0x2b: {  	s6 =	sld [smem:$0x3FB0]  }
0x2c: {  	s7 =	sld [smem:$0x3FB1]  }
0x2d: {  	s3 =	simm.s32 $0x108;
	s8 =	sld [smem:$0x3FB2]  }
0x2e: {  	s3 =	simm.s32 @!p0 $0x1082;
	s9 =	sld [smem:$0x3FB3]  }
0x2f: {  	lr =	sadd.s32 s0, s3;
	s0 =	sld [smem:$0x3FAA]  }
0x30: {  	s3 =	sld [smem:$0x3FAD]  }
0x31: {  	[smem:$0x3FB6] =	sst s10  }
0x32: {  	s10 =	sld [smem:$0x3FB4];
	_ =	sdelay $0x3  }
0x33: {  	p0 =	seq.s32 s10, $0x1;
	s10 =	sld [smem:$0x3FB6];
	_ =	sdelay $0x3  }
0x34: {  	[smem:$0x3FB6] =	sst s10  }
0x35: {  	s10 =	sld [smem:$0x3FB5];
	_ =	sdelay $0x3  }
0x36: {  	p1 =	seq.s32 s10, $0x1;
	s10 =	sld [smem:$0x3FB6];
	_ =	sdelay $0x3  }
0x37: {  	[smem:$0x3FB6] =	sst s10  }
0x38: {  	s10 =	sld [smem:$0x3FB7]  }
0x39: {  	_ = 	snop;
	(pc) =	sbr.ind lr, $3  }
0x3a: {  	_ = 	snop  }
0x3b: {  	_ = 	snop  }
0x3c: {  	p2 =	seq.s32 s10, $0x1;
	s10 =	sld [smem:$0x3FB6]  }
0x3d: {  	_ =	shalt  }
0x3e: {  	_ =	shalt  }
0x3f: {  	_ =	shalt  }
0x40: {  	_ =	shalt  }
0x41: {  	_ =	shalt  }
0x42: {  	_ =	shalt  }
0x43: {  	_ =	shalt  }
0x44: {  	_ =	shalt  }
0x45: {  	_ =	shalt  }
0x46: {  	_ =	shalt  }
0x47: {  	_ =	shalt  }
0x48: {  	_ =	shalt  }
0x49: {  	_ =	shalt  }
0x4a: {  	_ =	shalt  }
0x4b: {  	_ =	shalt  }
0x4c: {  	_ =	shalt  }
0x4d: {  	_ =	shalt  }
0x4e: {  	_ =	shalt  }
0x4f: {  	_ =	shalt  }
0x50: {  	_ =	shalt  }
0x51: {  	_ =	shalt  }
0x52: {  	_ =	shalt  }
0x53: {  	_ =	shalt  }
0x54: {  	_ =	shalt  }
0x55: {  	_ =	shalt  }
0x56: {  	_ =	shalt  }
0x57: {  	_ =	shalt  }
0x58: {  	_ =	shalt  }
0x59: {  	_ =	shalt  }
0x5a: {  	_ =	shalt  }
0x5b: {  	_ =	shalt  }
0x5c: {  	_ =	shalt  }
0x5d: {  	_ =	shalt  }
0x5e: {  	_ =	shalt  }
0x5f: {  	_ =	shalt  }
0x60: {  	_ =	shalt  }
0x61: {  	_ =	shalt  }
0x62: {  	_ =	shalt  }
0x63: {  	_ =	shalt  }
0x64: {  	_ =	shalt  }
0x65: {  	_ =	shalt  }
0x66: {  	_ =	shalt  }
0x67: {  	_ =	shalt  }
0x68: {  	_ =	shalt  }
0x69: {  	_ =	shalt  }
0x6a: {  	_ =	shalt  }
0x6b: {  	_ =	shalt  }
0x6c: {  	_ =	shalt  }
0x6d: {  	_ =	shalt  }
0x6e: {  	_ =	shalt  }
0x6f: {  	_ =	shalt  }
0x70: {  	_ =	shalt  }
0x71: {  	_ =	shalt  }
0x72: {  	_ =	shalt  }
0x73: {  	_ =	shalt  }
0x74: {  	_ =	shalt  }
0x75: {  	_ =	shalt  }
0x76: {  	_ =	shalt  }
0x77: {  	_ =	shalt  }
0x78: {  	_ =	shalt  }
0x79: {  	_ =	shalt  }
0x7a: {  	_ =	shalt  }
0x7b: {  	_ =	shalt  }
0x7c: {  	_ =	shalt  }
0x7d: {  	_ =	shalt  }
0x7e: {  	_ =	shalt  }
0x7f: {  	_ =	shalt  }
0x80: {  	_ =	shalt  }
0x81: {  	_ =	shalt  }
0x82: {  	_ =	shalt  }
0x83: {  	_ =	shalt  }
0x84: {  	_ =	shalt  }
0x85: {  	_ =	shalt  }
0x86: {  	_ =	shalt  }
0x87: {  	_ =	shalt  }
.Lfunc_end0:
.L_simem_size_0:
called_computation.1_lowered:
.L_overlay_start_0:
0x88: {  	s2 =	sld [smem:$0x3FD9]  }
0x89: {  	s3 =	sld [smem:$0x3FFE];
	_ =	sdelay $0x1  }
0x8a: {  	s1 =	srdreg.scid  }
0x8b: {  	s0 =	sand.u32 $0x1, s1  }
0x8c: {  	s17 =	sshll.u32 s0, $0xA;
	s2 =	sadd.s32 s3, s2  }
0x8d: {  	s2 =	sadd.s32 s2, s17  }
0x8e: {  	[smem:$0x3FC2] =	sst s2  }
0x8f: {  	_ = 	snop  }
0x90: {  	s2 =	sld [smem:$0x3FC5]  }
0x91: {  	s18 =	sld [smem:$0x3FC4]  }
0x92: {  	s4 =	sld [smem:$0x3FD0];
	(tm) =	ssettm $0x1  }
0x93: {  	s5 =	sld [smem:$0x3FFB];
	_ =	sdelay $0x3  }
0x94: {  	_ =	strace s5  }
0x95: {  	s5 =	sld [smem:$0x3FFC];
	_ =	sdelay $0x3  }
0x96: {  	_ =	strace s5  }
0x97: {  	s5 =	sld [smem:$0x3FFD];
	_ =	sdelay $0x3  }
0x98: {  	_ =	strace s5  }
0x99: {  	_ =	strace $0x8FFFFFFF  }
0x9a: {  	s19 =	sld [smem:$0x3FDB];
	_ =	sdelay $0x1  }
0x9b: {  	s6 =	simm.s32 $_scs_section_size  }
0x9c: {  	s7 =	simm.s32 $_size__tile_overlayer_lowered;
	s8 =	simm.s32 $_tile_overlayer_lowered  }
0x9d: {  	s22 =	simm.s32 $0x1BFF;
	s21 =	sshll.u32 s8, $0x1;
	s5 =	sadd.s32 s6, s19  }
0x9e: {  	s9 =	simm.s32 $0x0;
	s20 =	sshll.u32 s7, $0x1;
	s7 =	sadd.s32 s21, s5  }
0x9f: {  	[timem:s9], [sflag:s22] =	dma.local [hbm:s7], s20  }
0xa0: {  	_ =	swait.ge [sflag:s22], s20  }
0xa1: {  	s6 =	ssub.s32 $0x0, s20;
	[sflag:s22] =	ssyncset.done $0x0  }
0xa2: {  	[sflag:s22] =	ssyncadd.s32 s6;
	_ =	sdelay $0x1  }
0xa3: {  	s23 =	simm.s32 $0x1B8B  }
0xa4: {  	_ =	swait.ge [sflag:s23], $0x1  }
0xa5: {  	[sflag:s23] =	ssyncset.done $0x0  }
0xa6: {  	s25 =	simm.s32 $0x1B8E;
	s24 =	sld [smem:$0x3FFE];
	[sflag:s23] =	ssyncadd.s32 $0xFFFFFFFF  }
0xa7: {  	s26 =	simm.s32 $execute0_lowered;
	[smem:$0x3FD2] =	sst s25  }
0xa8: {  	s7 =	sshll.u32 s26, $0x1;
	_ =	strace $0x80000046;
	[dreg:$0x1] =	wrdreg $0xFFFFFFFF  }
0xa9: {  	s28 =	simm.s32 $_size_execute0_lowered;
	s5 =	sadd.s32 s5, s7;
	[dreg:$0x0] =	wrdreg $0x0  }
0xaa: {  	s7 =	sshll.u32 s28, $0x1;
	[dreg:$0x2] =	wrdreg s5  }
0xab: {  	[dreg:$0x3] =	wrdreg s7  }
0xac: {  	[dreg:$0x4] =	wrdreg $0xC0  }
0xad: {  	_ =	task [dreg:s9], $0x5FFFF  }
0xae: {  	[dreg:$0x1] =	wrdreg $0xFFFFFFFF  }
0xaf: {  	[dreg:$0x0] =	wrdreg $0x60  }
0xb0: {  	[dreg:$0x2] =	wrdreg s24  }
0xb1: {  	[dreg:$0x3] =	wrdreg s2  }
0xb2: {  	[dreg:$0x4] =	wrdreg s18  }
0xb3: {  	[dreg:$0x5] =	wrdreg s4  }
0xb4: {  	[dreg:$0x6] =	wrdreg $0x9  }
0xb5: {  	_ =	task.clear_ibuf [dreg:s9], $0x7FFFF;
	_ =	strace $0x90000046  }
0xb6: {  	s29 =	simm.s32 $0x9;
	_ =	strace $0x80000048  }
0xb7: {  	_ =	swait.ge [sflag:s29], $0x1  }
0xb8: {  	[sflag:s29] =	ssyncadd.s32 $0xFFFFFFFF  }
0xb9: {  	_ =	strace $0x90000048  }
0xba: {  	_ =	sfence  }
0xbb: {  	s30 =	sld [smem:$0x0];
	_ =	sdelay $0x2  }
0xbc: {  	s31 =	sshll.u32 s1, $0xD;
	s1 =	sshrl.u32 s1, $0x2  }
0xbd: {  	s3 =	sand.u32 $0x4000, s31;
	s1 =	sadd.s32 s1, s30  }
0xbe: {  	s0 =	sor.u32 s3, s0;
	s1 =	sshll.u32 s1, $0x11  }
0xbf: {  	s0 =	sor.u32 s1, s0  }
0xc0: {  	s0 =	sadd.s32 $0x8F2B, s0  }
0xc1: {  	[sflag:s0] =	ssyncadd.remote.s32 $0x1  }
0xc2: {  	_ =	sfence.sel $0xFFFF  }
0xc3: {  	[dreg:$0x0] =	wrdreg $0xFFFFFFFF;
	(pc) =	sbr.abs _section_cstart, $3  }
0xc4: {  	[dreg:$0x1] =	wrdreg $0xFFFFFFFF  }
0xc5: {  	_ =	task.clear_ibuf [dreg:s9], $0x2FFFF;
	_ =	strace $0x9FFFFFFF  }
0xc6: {  	(tm) =	ssettm $0x7FFFFFFF  }
0xc7: {  	_ =	shalt  }
tec
execute0_lowered:
.L_overlay_start_1:
0x0: {  	(tag) =	ssettag $0x1  }
0x1: {  	s0 =	rddreg [dreg:$0x0]  }
0x2: {  	s2 =	rddreg [dreg:$0x2]  }
0x3: {  	s3 =	rddreg [dreg:$0x3];
	v0 =	vimm.s32 $0xEFCDAB89;
	v1 =	vimm.s32 $0x67452301  }
0x4: {  	s4 =	simm.s32 $0x0;
	v2 =	vimm.s32 $0xDCFE98BA;
	s1 =	srdreg.scid;
	v3 =	vimm.s32 $0x54761032;
	s11 =	stileid.u32;
	v4 =	vimm.s32 $0xBA98FEDC  }
0x5: {  	v5 =	vimm.s32 $0x32107654;
	v6 =	vimm.s32 $0xFEDCBA98;
	s13 =	simm.s32 $0x97A0;
	s14 =	simm.s32 $0x2;
	s15 =	simm.s32 $0xC9A0  }
0x6: {  	v7 =	vimm.s32 $0x76543210;
	s16 =	simm.s32 $0xC9E0;
	s17 =	simm.s32 $0xD0;
	s18 =	simm.s32 $0x64;
	v0 =	vunpack.c.l.s4.s8 v0;
	v1 =	vunpack.c.l.s4.s8 v1  }
0x7: {  	s19 =	simm.s32 $0x1A0;
	s20 =	simm.s32 $0x68;
	s21 =	simm.s32 $0x1AA0;
	v2 =	vunpack.c.l.s4.s8 v2;
	v3 =	vunpack.c.l.s4.s8 v3;
	v4 =	vunpack.c.l.s4.s8 v4  }
0x8: {  	s22 =	simm.s32 $0x33A0;
	s23 =	simm.s32 $0x138;
	s24 =	simm.s32 $0x4CA0;
	v5 =	vunpack.c.l.s4.s8 v5;
	v6 =	vunpack.c.l.s4.s8 v6;
	v7 =	vunpack.c.l.s4.s8 v7  }
0x9: {  	s25 =	simm.s32 $0x1;
	s26 =	simm.s32 $0x65A0;
	s28 =	simm.s32 $0x0;
	v0 =	vunpack.c.0.s8.s32 v0;
	v1 =	vunpack.c.0.s8.s32 v1;
	v2 =	vunpack.c.0.s8.s32 v2  }
0xa: {  	[smem:$0x7FF] =	sst s4;
	s5 =	sadd.s32 $0xC3C00, s0;
	s1 =	sand.u32 $0x1, s1;
	v3 =	vunpack.c.0.s8.s32 v3;
	v4 =	vunpack.c.0.s8.s32 v4;
	v5 =	vunpack.c.0.s8.s32 v5  }
0xb: {  	s6 =	sadd.s32 $0xA9C00, s0;
	s7 =	sadd.s32 $0xF43200, s0;
	s8 =	ssub.s32 $0x2, s1;
	v0 =	vcombine.low v1, v0;
	v1 =	vunpack.c.0.s8.s32 v6  }
0xc: {  	s9 =	sadd.s32 $0xE00, s0;
	s11 =	sshll.u32 s11, $0x8;
	s10 =	sshrl.u32 s8, $0x1;
	v2 =	vcombine.low v3, v2;
	v3 =	vcombine.low v5, v4;
	v4 =	vunpack.c.0.s8.s32 v7  }
0xd: {  	_ =	strace $0x80000047;
	s1 =	sshll.u32 s1, $0x7;
	s8 =	ssub.s32 s8, s10;
	v0 =	vand.u32 $0xF, v0;
	v5 =	vand.u32 $0xF, v1  }
0xe: {  	s11 =	sor.u32 s1, s11;
	s10 =	sadd.s32 $0xDDC00, s0;
	s12 =	smax.u32 s8, $0x1;
	v1 =	vand.u32 $0xF, v2;
	v2 =	vand.u32 $0xF, v3;
	v3 =	vcombine.low v5, v4  }
.LBB2_1:
0xf: {  	[tilespmem:s13], [sflag:$0x2] =	stream.linear.gather [hbm4b:s10+s4], $0x3200, $0x38;
	[tilespmem:$0xCA20] =	vst v63  }
0x10: {  	_ =	swait.ge [sflag:s14], $0x3200  }
0x11: {  	[sflag:s14] =	ssyncset.done $0x0  }
0x12: {  	[sflag:s14] =	ssyncadd.s32 $0xFFFFCE00  }
0x13: {  	s0 =	rddreg [dreg:$0x1]  }
0x14: {  	[tilespmem:s15], [sflag:$0x2] =	stream.linear.gather [hbm4b:s0+s4], $0x40, $0x38;
	[tilespmem:$0xCA20] =	vst v63  }
0x15: {  	_ =	swait.ge [sflag:s14], $0x40  }
0x16: {  	[sflag:s14] =	ssyncset.done $0x0  }
0x17: {  	[sflag:s14] =	ssyncadd.s32 $0xFFFFFFC0  }
0x18: {  	[tilespmem:s16], [sflag:$0x2] =	stream.linear.gather [hbm4b:s2+s4], $0x40, $0x38;
	[tilespmem:$0xCA20] =	vst v63  }
0x19: {  	_ =	swait.ge [sflag:s14], $0x40  }
0x1a: {  	[sflag:s14] =	ssyncset.done $0x0  }
0x1b: {  	s29 =	simm.s32 $0x0;
	[sflag:s14] =	ssyncadd.s32 $0xFFFFFFC0  }
.LBB2_2:
0x1c: {  	s30 =	sadd.s32 s11, s29  }
0x1d: {  	s0 =	smul.u32 $0x1A, s30;
	_ =	sdelay $0x1  }
0x1e: {  	s8 =	simm.s32 $0x0;
	s1 =	sadd.s32 s5, s0  }
0x1f: {  	[tilespmem:s8], [sflag:$0x2] =	stream.linear.gather [hbm4b:s1+s8], $0xD0, $0x38;
	[tilespmem:$0xCA20] =	vst v63  }
0x20: {  	_ =	swait.ge [sflag:s14], $0xD0  }
0x21: {  	[sflag:s14] =	ssyncset.done $0x0  }
0x22: {  	s0 =	sadd.s32 s6, s0;
	[sflag:s14] =	ssyncadd.s32 $0xFFFFFF30  }
0x23: {  	[tilespmem:s17], [sflag:$0x2] =	stream.linear.gather [hbm4b:s0+s8], $0xD0, $0x38;
	[tilespmem:$0xCA20] =	vst v63  }
0x24: {  	_ =	swait.ge [sflag:s14], $0xD0  }
0x25: {  	[sflag:s14] =	ssyncset.done $0x0  }
0x26: {  	[sflag:s14] =	ssyncadd.s32 $0xFFFFFF30  }
0x27: {  	[tilespmem:s19], [sflag:$0x1] =	stream.indirect.gather [hbm4b:s7+s18], $0x40, s8, s18, $0xb8;
	[tilespmem:$0xCA20] =	vst v63  }
0x28: {  	_ = 	snop  }
0x29: {  	[tilespmem:s21], [sflag:$0x1] =	stream.indirect.gather [hbm4b:s7+s18], $0x40, s20, s18, $0xb8;
	[tilespmem:$0xCA20] =	vst v63  }
0x2a: {  	_ = 	snop  }
0x2b: {  	[tilespmem:s22], [sflag:$0x1] =	stream.indirect.gather [hbm4b:s9+s18], $0x40, s17, s18, $0xb8;
	[tilespmem:$0xCA20] =	vst v63  }
0x2c: {  	_ = 	snop  }
0x2d: {  	[tilespmem:s24], [sflag:$0x1] =	stream.indirect.gather [hbm4b:s9+s18], $0x40, s23, s18, $0xb8;
	[tilespmem:$0xCA20] =	vst v63  }
0x2e: {  	_ =	swait.ge [sflag:s25], $0x1900  }
0x2f: {  	[sflag:s25] =	ssyncset.done $0x0  }
0x30: {  	[sflag:s25] =	ssyncadd.s32 $0xFFFFE700  }
0x31: {  	_ =	swait.ge [sflag:s25], $0x1900  }
0x32: {  	[sflag:s25] =	ssyncset.done $0x0  }
0x33: {  	[sflag:s25] =	ssyncadd.s32 $0xFFFFE700  }
0x34: {  	_ =	swait.ge [sflag:s25], $0x1900  }
0x35: {  	[sflag:s25] =	ssyncset.done $0x0  }
0x36: {  	[sflag:s25] =	ssyncadd.s32 $0xFFFFE700  }
0x37: {  	_ =	swait.ge [sflag:s25], $0x1900  }
0x38: {  	[sflag:s25] =	ssyncset.done $0x0  }
0x39: {  	s0 =	simm.s32 $0x0;
	[sflag:s25] =	ssyncadd.s32 $0xFFFFE700  }
0x3a: {  	v4 =	vld [tilespmem:s0+$0x97A0]  }
0x3b: {  	v5 =	vld [tilespmem:s0+$0x97B0]  }
0x3c: {  	v6 =	vld [tilespmem:s0+$0x1A0]  }
0x3d: {  	v7 =	vld [tilespmem:s0+$0x33A0]  }
0x3e: {  	v8 =	vld [tilespmem:s0+$0x1B0]  }
0x3f: {  	v9 =	vld [tilespmem:s0+$0x33B0]  }
0x40: {  	v10 =	vld [tilespmem:s0+$0x1C0]  }
0x41: {  	v11 =	vld [tilespmem:s0+$0x33C0]  }
0x42: {  	v12 =	vld [tilespmem:s0+$0x1D0]  }
0x43: {  	v13 =	vld [tilespmem:s0+$0x33D0]  }
0x44: {  	v14 =	vld [tilespmem:s0+$0x97C0]  }
0x45: {  	v15 =	vld [tilespmem:s0+$0x97D0];
	_ =	sdelay $0x1  }
0x46: {  	v6 =	vadd.f32 v7, v6;
	v7 =	vadd.f32 v9, v8  }
0x47: {  	v8 =	vadd.f32 v11, v10;
	v9 =	vadd.f32 v13, v12  }
0x48: {  	v11 =	vadd.f32 v4, v6;
	v13 =	vadd.f32 v5, v7  }
0x49: {  	v8 =	vadd.f32 v14, v8;
	v5 =	vadd.f32 v15, v9  }
0x4a: {  	v4 =	vadd.f32 v13, v11  }
0x4b: {  	v6 =	vadd.f32 v5, v8;
	v7 =	vmul.f32 v11, v11;
	v9 =	vmul.f32 v13, v13  }
0x4c: {  	v10 =	vmul.f32 v8, v8;
	v12 =	vmul.f32 v5, v5  }
0x4d: {  	v4 =	vadd.f32 v6, v4  }
0x4e: {  	v6 =	vadd.f32 v9, v7;
	v7 =	vadd.f32 v12, v10;
	_ =	sdelay $0x1  }
0x4f: {  	v6 =	vadd.f32 v7, v6;
	v7 =	vperm.xlane v4, v0;
	_ =	sdelay $0x1  }
0x50: {  	v9 =	vperm.xlane v6, v0;
	v4 =	vadd.f32 v4, v7;
	_ =	sdelay $0x1  }
0x51: {  	v6 =	vadd.f32 v6, v9;
	v7 =	vperm.xlane v4, v1;
	_ =	sdelay $0x1  }
0x52: {  	v9 =	vperm.xlane v6, v1;
	v4 =	vadd.f32 v4, v7;
	_ =	sdelay $0x1  }
0x53: {  	v6 =	vadd.f32 v6, v9;
	v7 =	vperm.xlane v4, v2;
	_ =	sdelay $0x1  }
0x54: {  	v4 =	vadd.f32 v7, v4;
	v7 =	vperm.xlane v6, v2;
	_ =	sdelay $0x1  }
0x55: {  	v6 =	vadd.f32 v7, v6;
	v7 =	vperm.xlane v4, v3;
	_ =	sdelay $0x1  }
0x56: {  	v4 =	vadd.f32 v7, v4;
	v7 =	vperm.xlane v6, v3;
	_ =	sdelay $0x1  }
0x57: {  	s31 =	simm.s32 $0x40;
	v6 =	vadd.f32 v7, v6;
	v9 =	vmul.f32 $1.562500000e-02, v4  }
0x58: {  	v16 =	vld [tilespmem:s31+$0x1C0]  }
0x59: {  	v19 =	vld [tilespmem:s31+$0x1D0];
	v6 =	vmul.f32 $1.562500000e-02, v6;
	v7 =	vmul.f32 v9, v9  }
0x5a: {  	v21 =	vld [tilespmem:s31+$0x33D0]  }
0x5b: {  	v22 =	vld [tilespmem:s31+$0x97C0];
	v6 =	vsub.f32 v6, v7  }
0x5c: {  	v14 =	vld [tilespmem:s31+$0x1B0]  }
0x5d: {  	v15 =	vld [tilespmem:s31+$0x33B0];
	v6 =	vadd.f32 $9.999999740e-06, v6  }
0x5e: {  	v12 =	vld [tilespmem:s31+$0x97B0]  }
0x5f: {  	v10 =	vld [tilespmem:s31+$0x1A0];
	v17 =	vshra.s32 v6, $0x1;
	v18 =	vmul.f32 $5.000000000e-01, v6  }
0x60: {  	v7 =	vld [tilespmem:s31+$0x33A0];
	v17 =	vsub.s32 $0x5F3759DF, v17  }
0x61: {  	v6 =	vld [tilespmem:s31+$0x33C0];
	v20 =	vmul.f32 v17, v18  }
0x62: {  	v4 =	vld [tilespmem:s31+$0x97A0]  }
0x63: {  	v23 =	vld [tilespmem:s31+$0x97D0];
	v20 =	vmul.f32 v17, v20  }
0x64: {  	v14 =	vadd.f32 v15, v14  }
0x65: {  	v7 =	vadd.f32 v7, v10;
	v20 =	vsub.f32 $1.500000000e+00, v20  }
0x66: {  	v15 =	vadd.f32 v21, v19;
	v6 =	vadd.f32 v6, v16  }
0x67: {  	v10 =	vadd.f32 v4, v7;
	v7 =	vadd.f32 v12, v14;
	v16 =	vmul.f32 v17, v20  }
0x68: {  	v4 =	vadd.f32 v23, v15;
	v6 =	vadd.f32 v22, v6  }
0x69: {  	v14 =	vadd.f32 v7, v10;
	v15 =	vmul.f32 v10, v10;
	v12 =	vmul.f32 v16, v18  }
0x6a: {  	v19 =	vmul.f32 v7, v7;
	v21 =	vmul.f32 v4, v4;
	v17 =	vadd.f32 v4, v6  }
0x6b: {  	v20 =	vmul.f32 v6, v6;
	v12 =	vmul.f32 v12, v16  }
0x6c: {  	v15 =	vadd.f32 v19, v15;
	v14 =	vadd.f32 v17, v14  }
0x6d: {  	v17 =	vadd.f32 v21, v20;
	v12 =	vsub.f32 $1.500000000e+00, v12;
	_ =	sdelay $0x1  }
0x6e: {  	v15 =	vadd.f32 v17, v15;
	v12 =	vmul.f32 v12, v16;
	v16 =	vperm.xlane v14, v0;
	_ =	sdelay $0x1  }
0x6f: {  	v17 =	vmul.f32 v12, v18;
	v18 =	vperm.xlane v15, v0;
	v14 =	vadd.f32 v14, v16;
	_ =	sdelay $0x1  }
0x70: {  	v16 =	vmul.f32 v17, v12;
	v15 =	vadd.f32 v15, v18;
	v17 =	vperm.xlane v14, v1;
	_ =	sdelay $0x1  }
0x71: {  	v16 =	vsub.f32 $1.500000000e+00, v16;
	v18 =	vperm.xlane v15, v1;
	v14 =	vadd.f32 v14, v17  }
0x72: {  	v11 =	vsub.f32 v11, v9;
	v17 =	vld [tilespmem:$0xC9A0]  }
0x73: {  	v12 =	vmul.f32 v16, v12;
	v16 =	vadd.f32 v15, v18;
	v15 =	vperm.xlane v14, v2  }
0x74: {  	v18 =	vld [tilespmem:$0xC9E0]  }
0x75: {  	v11 =	vmul.f32 v12, v11;
	v19 =	vadd.f32 v15, v14;
	v14 =	vperm.xlane v16, v2;
	_ =	sdelay $0x1  }
0x76: {  	s8 =	simm.s32 $0x80;
	v11 =	vmul.f32 v11, v17;
	v20 =	vadd.f32 v14, v16;
	v17 =	vperm.xlane v19, v3  }
0x77: {  	v15 =	vld [tilespmem:s8+$0x97A0]  }
0x78: {  	v14 =	vld [tilespmem:s8+$0x97B0];
	v11 =	vadd.f32 v11, v18;
	v18 =	vadd.f32 v17, v19;
	v19 =	vperm.xlane v20, v3  }
0x79: {  	v16 =	vld [tilespmem:s8+$0x1A0]  }
0x7a: {  	v17 =	vld [tilespmem:s8+$0x33A0];
	[tilespmem:s0+$0x65A0] =	vst v11;
	v19 =	vadd.f32 v19, v20;
	v11 =	vmul.f32 $1.562500000e-02, v18  }
0x7b: {  	v22 =	vld [tilespmem:$0xC9B0]  }
0x7c: {  	v13 =	vsub.f32 v13, v9;
	v18 =	vld [tilespmem:s8+$0x1B0];
	v19 =	vmul.f32 $1.562500000e-02, v19;
	v21 =	vmul.f32 v11, v11  }
0x7d: {  	v23 =	vld [tilespmem:$0xC9F0]  }
0x7e: {  	v13 =	vmul.f32 v12, v13;
	v20 =	vld [tilespmem:s8+$0x33B0];
	v19 =	vsub.f32 v19, v21  }
0x7f: {  	v24 =	vld [tilespmem:s8+$0x33C0]  }
0x80: {  	v25 =	vld [tilespmem:s8+$0x33D0];
	v19 =	vadd.f32 $9.999999740e-06, v19;
	v26 =	vmul.f32 v13, v22  }
0x81: {  	v21 =	vld [tilespmem:s8+$0x1C0]  }
0x82: {  	v22 =	vld [tilespmem:s8+$0x1D0];
	v27 =	vshra.s32 v19, $0x1;
	v13 =	vmul.f32 $5.000000000e-01, v19;
	v28 =	vadd.f32 v26, v23  }
0x83: {  	v23 =	vld [tilespmem:s8+$0x97C0];
	v19 =	vsub.s32 $0x5F3759DF, v27  }
0x84: {  	s1 =	simm.s32 $0x300;
	v26 =	vld [tilespmem:s8+$0x97D0];
	v27 =	vmul.f32 v19, v13;
	[tilespmem:s0+$0x65B0] =	vst v28  }
.LBB2_3:
0x85: {  	p0 =	sne.s32 s1, $0xC700;
	v16 =	vadd.f32 v17, v16;
	v17 =	vadd.f32 v20, v18;
	v18 =	vld [tilespmem:$0xC9C0]  }
0x86: {  	v20 =	vadd.f32 v24, v21;
	v24 =	vsub.f32 v8, v9;
	v8 =	vmovc v6;
	v21 =	vmul.f32 v19, v27  }
0x87: {  	v15 =	vadd.f32 v15, v16;
	v16 =	vadd.f32 v25, v22;
	v22 =	vld [tilespmem:$0xCA00]  }
0x88: {  	v25 =	vadd.f32 v14, v17;
	v17 =	vmul.f32 v12, v24;
	v14 =	vsub.f32 $1.500000000e+00, v21  }
0x89: {  	v6 =	vadd.f32 v23, v20;
	v16 =	vadd.f32 v26, v16  }
0x8a: {  	v14 =	vmul.f32 v19, v14;
	v17 =	vmul.f32 v17, v18  }
0x8b: {  	v20 =	vmul.f32 v15, v15;
	v18 =	vadd.f32 v25, v15;
	v19 =	vadd.f32 v16, v6  }
0x8c: {  	v21 =	vmul.f32 v25, v25;
	v23 =	vmul.f32 v14, v13;
	v17 =	vadd.f32 v17, v22  }
0x8d: {  	v24 =	vmul.f32 v16, v16;
	v22 =	vmul.f32 v6, v6  }
0x8e: {  	v18 =	vadd.f32 v19, v18;
	v19 =	vmul.f32 v23, v14;
	[tilespmem:s0+$0x65C0] =	vst v17  }
0x8f: {  	v17 =	vadd.f32 v21, v20;
	v20 =	vadd.f32 v24, v22;
	v21 =	vld [tilespmem:$0xC9D0]  }
0x90: {  	v23 =	vsub.f32 v5, v9;
	v5 =	vmovc v4;
	v4 =	vmovc v16;
	v9 =	vmov v11;
	v19 =	vsub.f32 $1.500000000e+00, v19;
	v22 =	vld [tilespmem:$0xCA10]  }
0x91: {  	v16 =	vperm.xlane v18, v0;
	v11 =	vadd.f32 v20, v17  }
0x92: {  	v12 =	vmul.f32 v12, v23;
	v14 =	vmul.f32 v19, v14  }
0x93: {  	v17 =	vperm.xlane v11, v0  }
0x94: {  	v16 =	vadd.f32 v18, v16;
	v13 =	vmul.f32 v14, v13;
	v12 =	vmul.f32 v12, v21  }
0x95: {  	v11 =	vadd.f32 v11, v17  }
0x96: {  	v17 =	vperm.xlane v16, v1;
	v13 =	vmul.f32 v13, v14;
	v12 =	vadd.f32 v12, v22  }
0x97: {  	v18 =	vperm.xlane v11, v1  }
0x98: {  	v16 =	vadd.f32 v16, v17;
	v13 =	vsub.f32 $1.500000000e+00, v13;
	[tilespmem:s0+$0x65D0] =	vst v12;
	s0 =	smov.u32 s31;
	s31 =	smov.u32 s8  }
0x99: {  	v11 =	vadd.f32 v11, v18;
	v17 =	vld [tilespmem:$0xC9A0]  }
0x9a: {  	v18 =	vperm.xlane v16, v2;
	v12 =	vmul.f32 v13, v14;
	v13 =	vld [tilespmem:$0xC9E0];
	v14 =	vsub.f32 v10, v9;
	v10 =	vmovc v15;
	_ =	sdelay $0x1  }
0x9b: {  	v16 =	vadd.f32 v18, v16;
	v15 =	vperm.xlane v11, v2;
	v14 =	vmul.f32 v12, v14;
	_ =	sdelay $0x1  }
0x9c: {  	s8 =	sshra.s32 s1, $0x2;
	v11 =	vadd.f32 v15, v11;
	v18 =	vperm.xlane v16, v3;
	v17 =	vmul.f32 v14, v17  }
0x9d: {  	v15 =	vld [tilespmem:s8+$0x97A0]  }
0x9e: {  	v18 =	vadd.f32 v18, v16;
	v19 =	vperm.xlane v11, v3;
	v14 =	vld [tilespmem:s8+$0x97B0];
	v13 =	vadd.f32 v17, v13  }
0x9f: {  	v16 =	vld [tilespmem:s8+$0x1A0]  }
0xa0: {  	v19 =	vadd.f32 v19, v11;
	v11 =	vmul.f32 $1.562500000e-02, v18;
	v17 =	vld [tilespmem:s8+$0x33A0];
	[tilespmem:s0+$0x65A0] =	vst v13  }
0xa1: {  	v13 =	vld [tilespmem:$0xC9B0]  }
0xa2: {  	v22 =	vsub.f32 v7, v9;
	v7 =	vmovc v25;
	v19 =	vmul.f32 $1.562500000e-02, v19;
	v21 =	vmul.f32 v11, v11;
	v18 =	vld [tilespmem:s8+$0x1B0]  }
0xa3: {  	v23 =	vld [tilespmem:$0xC9F0]  }
0xa4: {  	v22 =	vmul.f32 v12, v22;
	v19 =	vsub.f32 v19, v21;
	v20 =	vld [tilespmem:s8+$0x33B0]  }
0xa5: {  	v21 =	vld [tilespmem:s8+$0x1C0]  }
.Ltmp0:
0xa6: {  	v19 =	vadd.f32 $9.999999740e-06, v19;
	v24 =	vld [tilespmem:s8+$0x33C0];
	v26 =	vmul.f32 v22, v13;
	(pc) =	sbr.rel @p0 .LBB2_3-.Ltmp0, $4  }
0xa7: {  	v22 =	vld [tilespmem:s8+$0x1D0]  }
0xa8: {  	v27 =	vshra.s32 v19, $0x1;
	v13 =	vmul.f32 $5.000000000e-01, v19;
	v25 =	vld [tilespmem:s8+$0x33D0];
	v28 =	vadd.f32 v26, v23  }
0xa9: {  	v19 =	vsub.s32 $0x5F3759DF, v27;
	v23 =	vld [tilespmem:s8+$0x97C0]  }
0xaa: {  	s1 =	sadd.s32 $0x100, s1;
	v27 =	vmul.f32 v19, v13;
	v26 =	vld [tilespmem:s8+$0x97D0];
	[tilespmem:s0+$0x65B0] =	vst v28  }
0xab: {  	v56 =	vld [tilespmem:$0xC9C0]  }
0xac: {  	v8 =	vsub.f32 v8, v9;
	v58 =	vmul.f32 v19, v27  }
0xad: {  	v16 =	vadd.f32 v17, v16;
	v55 =	vadd.f32 v20, v18;
	v60 =	vld [tilespmem:$0xCA00]  }
0xae: {  	v57 =	vadd.f32 v24, v21;
	v8 =	vmul.f32 v12, v8;
	v61 =	vsub.f32 $1.500000000e+00, v58  }
0xaf: {  	v15 =	vadd.f32 v15, v16;
	v59 =	vadd.f32 v25, v22  }
0xb0: {  	v14 =	vadd.f32 v14, v55;
	v17 =	vmul.f32 v19, v61;
	v8 =	vmul.f32 v8, v56  }
0xb1: {  	v20 =	vadd.f32 v23, v57;
	v16 =	vadd.f32 v26, v59;
	v28 =	vmul.f32 v15, v15  }
0xb2: {  	v29 =	vmul.f32 v14, v14;
	v30 =	vmul.f32 v17, v13;
	v8 =	vadd.f32 v8, v60  }
0xb3: {  	v5 =	vsub.f32 v5, v9;
	v31 =	vmul.f32 v20, v20;
	v32 =	vmul.f32 v16, v16  }
0xb4: {  	v62 =	vadd.f32 v14, v15;
	v63 =	vadd.f32 v16, v20;
	v33 =	vmul.f32 v30, v17;
	[tilespmem:s0+$0x65C0] =	vst v8  }
0xb5: {  	v34 =	vadd.f32 v29, v28;
	v35 =	vadd.f32 v32, v31;
	v36 =	vld [tilespmem:$0xC9D0]  }
0xb6: {  	v18 =	vadd.f32 v63, v62;
	v19 =	vsub.f32 $1.500000000e+00, v33  }
0xb7: {  	v5 =	vmul.f32 v12, v5;
	v37 =	vld [tilespmem:$0xCA10];
	v8 =	vadd.f32 v35, v34  }
0xb8: {  	v38 =	vperm.xlane v18, v0;
	v17 =	vmul.f32 v19, v17  }
0xb9: {  	v39 =	vperm.xlane v8, v0  }
0xba: {  	v18 =	vadd.f32 v18, v38;
	v40 =	vmul.f32 v17, v13;
	v5 =	vmul.f32 v5, v36  }
0xbb: {  	v8 =	vadd.f32 v8, v39  }
0xbc: {  	v41 =	vperm.xlane v18, v1;
	v13 =	vmul.f32 v40, v17;
	v5 =	vadd.f32 v5, v37;
	_ =	sdelay $0x1  }
0xbd: {  	v42 =	vperm.xlane v8, v1;
	v12 =	vadd.f32 v18, v41;
	v13 =	vsub.f32 $1.500000000e+00, v13;
	[tilespmem:s0+$0x65D0] =	vst v5  }
0xbe: {  	v10 =	vsub.f32 v10, v11;
	v43 =	vld [tilespmem:$0xC9A0]  }
0xbf: {  	v44 =	vperm.xlane v12, v2;
	v5 =	vadd.f32 v8, v42;
	v13 =	vmul.f32 v13, v17  }
0xc0: {  	v45 =	vld [tilespmem:$0xC9E0]  }
0xc1: {  	v9 =	vadd.f32 v44, v12;
	v46 =	vperm.xlane v5, v2;
	v10 =	vmul.f32 v13, v10;
	_ =	sdelay $0x1  }
0xc2: {  	v47 =	vperm.xlane v9, v3;
	v5 =	vadd.f32 v46, v5;
	v8 =	vmul.f32 v10, v43;
	_ =	sdelay $0x1  }
0xc3: {  	v9 =	vadd.f32 v47, v9;
	v48 =	vperm.xlane v5, v3;
	v8 =	vadd.f32 v8, v45;
	_ =	sdelay $0x1  }
0xc4: {  	v9 =	vmul.f32 $1.562500000e-02, v9;
	v5 =	vadd.f32 v48, v5;
	[tilespmem:s31+$0x65A0] =	vst v8  }
0xc5: {  	v8 =	vld [tilespmem:$0xC9B0]  }
0xc6: {  	v7 =	vsub.f32 v7, v11;
	v49 =	vmul.f32 v9, v9;
	v5 =	vmul.f32 $1.562500000e-02, v5  }
0xc7: {  	v50 =	vld [tilespmem:$0xC9F0]  }
0xc8: {  	v7 =	vmul.f32 v13, v7;
	v5 =	vsub.f32 v5, v49;
	_ =	sdelay $0x1  }
0xc9: {  	v5 =	vadd.f32 $9.999999740e-06, v5;
	v7 =	vmul.f32 v7, v8;
	_ =	sdelay $0x1  }
0xca: {  	v51 =	vshra.s32 v5, $0x1;
	v5 =	vmul.f32 $5.000000000e-01, v5;
	v7 =	vadd.f32 v7, v50  }
0xcb: {  	v8 =	vsub.s32 $0x5F3759DF, v51  }
0xcc: {  	v52 =	vmul.f32 v8, v5;
	[tilespmem:s31+$0x65B0] =	vst v7  }
0xcd: {  	v7 =	vld [tilespmem:$0xC9C0]  }
0xce: {  	v6 =	vsub.f32 v6, v11;
	v10 =	vmul.f32 v8, v52  }
0xcf: {  	v53 =	vld [tilespmem:$0xCA00]  }
0xd0: {  	v6 =	vmul.f32 v13, v6;
	v10 =	vsub.f32 $1.500000000e+00, v10;
	_ =	sdelay $0x1  }
0xd1: {  	v8 =	vmul.f32 v8, v10;
	v6 =	vmul.f32 v6, v7;
	_ =	sdelay $0x1  }
0xd2: {  	v54 =	vmul.f32 v8, v5;
	v6 =	vadd.f32 v6, v53;
	_ =	sdelay $0x1  }
0xd3: {  	v7 =	vmul.f32 v54, v8;
	[tilespmem:s31+$0x65C0] =	vst v6  }
0xd4: {  	v6 =	vld [tilespmem:$0xC9D0]  }
0xd5: {  	v4 =	vsub.f32 v4, v11;
	v7 =	vsub.f32 $1.500000000e+00, v7  }
0xd6: {  	v55 =	vld [tilespmem:$0xCA10]  }
0xd7: {  	v4 =	vmul.f32 v13, v4;
	v7 =	vmul.f32 v7, v8;
	_ =	sdelay $0x1  }
0xd8: {  	v5 =	vmul.f32 v7, v5;
	v4 =	vmul.f32 v4, v6;
	_ =	sdelay $0x1  }
0xd9: {  	v5 =	vmul.f32 v5, v7;
	v4 =	vadd.f32 v4, v55;
	_ =	sdelay $0x1  }
0xda: {  	v5 =	vsub.f32 $1.500000000e+00, v5;
	[tilespmem:s31+$0x65D0] =	vst v4  }
0xdb: {  	v4 =	vld [tilespmem:$0xC9A0]  }
0xdc: {  	v56 =	vsub.f32 v15, v9;
	v5 =	vmul.f32 v5, v7  }
0xdd: {  	v57 =	vld [tilespmem:$0xC9E0]  }
0xde: {  	v6 =	vmul.f32 v5, v56;
	_ =	sdelay $0x1  }
0xdf: {  	v4 =	vmul.f32 v6, v4;
	_ =	sdelay $0x1  }
0xe0: {  	v4 =	vadd.f32 v4, v57;
	_ =	sdelay $0x1  }
0xe1: {  	[tilespmem:s8+$0x65A0] =	vst v4  }
0xe2: {  	v4 =	vld [tilespmem:$0xC9B0]  }
0xe3: {  	v58 =	vsub.f32 v14, v9  }
0xe4: {  	v59 =	vld [tilespmem:$0xC9F0]  }
0xe5: {  	v6 =	vmul.f32 v5, v58;
	_ =	sdelay $0x1  }
0xe6: {  	v4 =	vmul.f32 v6, v4;
	_ =	sdelay $0x1  }
0xe7: {  	v4 =	vadd.f32 v4, v59;
	_ =	sdelay $0x1  }
0xe8: {  	[tilespmem:s8+$0x65B0] =	vst v4  }
0xe9: {  	v4 =	vld [tilespmem:$0xC9C0]  }
0xea: {  	v60 =	vsub.f32 v20, v9  }
0xeb: {  	v61 =	vld [tilespmem:$0xCA00]  }
0xec: {  	v6 =	vmul.f32 v5, v60;
	_ =	sdelay $0x1  }
0xed: {  	v4 =	vmul.f32 v6, v4;
	_ =	sdelay $0x1  }
0xee: {  	v4 =	vadd.f32 v4, v61;
	_ =	sdelay $0x1  }
0xef: {  	[tilespmem:s8+$0x65C0] =	vst v4  }
0xf0: {  	v4 =	vld [tilespmem:$0xC9D0]  }
0xf1: {  	v62 =	vsub.f32 v16, v9  }
0xf2: {  	v63 =	vld [tilespmem:$0xCA10]  }
0xf3: {  	v5 =	vmul.f32 v5, v62;
	_ =	sdelay $0x1  }
0xf4: {  	v4 =	vmul.f32 v5, v4;
	_ =	sdelay $0x1  }
0xf5: {  	s29 =	sadd.s32 $0x1, s29;
	s31 =	smul.u32 $0x640, s30;
	v4 =	vadd.f32 v4, v63  }
0xf6: {  	p0 =	sne.s32 s29, $0x80  }
.Ltmp1:
0xf7: {  	s0 =	sadd.s32 s3, s31;
	[tilespmem:s8+$0x65D0] =	vst v4;
	(pc) =	sbr.rel @p0 .LBB2_2-.Ltmp1, $4  }
0xf8: {  	[hbm4b:s0+s4] =	stream.linear.scatter [tilespmem:s26], [sflag:$0x2], $0x3200, $0x38;
	[tilespmem:$0xCA20] =	vst v63  }
0xf9: {  	_ =	swait.ge [sflag:s14], $0x3200  }
0xfa: {  	[sflag:s14] =	ssyncset.done $0x0  }
0xfb: {  	[sflag:s14] =	ssyncadd.s32 $0xFFFFCE00  }
0xfc: {  	s28 =	sadd.s32 $0x1, s28  }
0xfd: {  	p0 =	sne.s32 s28, s12  }
.Ltmp2:
0xfe: {  	_ = 	snop;
	(pc) =	sbr.rel @p0 .LBB2_1-.Ltmp2, $1  }
0xff: {  	_ =	sdelay $0x3  }
0x100: {  	_ =	sfence.sel $0x180000  }
0x101: {  	[bflag:$0x0] =	sbarrier.arrive $0xFFFF  }
0x102: {  	_ =	strace $0x90000047  }
0x103: {  	s0 =	stileid.u32;
	[bflag:$0x2] =	sbarrier.arrive $0xFFFF  }
0x104: {  	p0 =	sne.s32 s0, $0x0;
	s0 =	rddreg [dreg:$0x4]  }
0x105: {  	s0 =	sadd.s32 @!p0 $0x100000, s0  }
0x106: {  	[sflag:s0] =	ssyncadd.tile.s32 @!p0 $0x1;
	_ =	shalt  }
.Lfunc_end2:
_tile_overlayer_lowered:
.L_overlay_start_2:
0x107: {  	(tag) =	ssettag $0x2  }
0x108: {  	s0 =	rddreg [dreg:$0x0];
	s2 =	stileid.u32  }
0x109: {  	s1 =	rddreg [dreg:$0x1];
	p0 =	sne.s32 s2, $0x0  }
0x10a: {  	s3 =	rddreg [dreg:$0x2];
	[bflag:$0x3] =	sbarrier.arrive $0xFFFF;
	s2 =	simm.s32 @!p0 $0x1C02  }
0x10b: {  	[timem:s3], [sflag:s2] =	dma.local @!p0 [hbm:s0], s1  }
0x10c: {  	s0 =	simm.s32 @!p0 $0x2  }
0x10d: {  	_ =	swait.ge @!p0 [sflag:s0], s1  }
0x10e: {  	s1 =	ssub.s32 @!p0 $0x0, s1;
	[sflag:s0] =	ssyncset.done @!p0 $0x0  }
0x10f: {  	[sflag:s0] =	ssyncadd.s32 @!p0 s1  }
0x110: {  	[bflag:$0x3] =	sbarrier.arrive $0xFFFF  }
0x111: {  	_ =	shalt  }

// kernel: sparse-core-data-format-call.cloned.1.call-start
scs
called_computation_lowered:
.L_overlay_start_0:
0x0: {  	s2 =	sld [smem:$0x3FD9]  }
0x1: {  	s3 =	sld [smem:$0x3FFE];
	_ =	sdelay $0x1  }
0x2: {  	s1 =	srdreg.scid  }
0x3: {  	s0 =	sand.u32 $0x1, s1  }
0x4: {  	s18 =	sshll.u32 s0, $0xA;
	s2 =	sadd.s32 s3, s2  }
0x5: {  	s2 =	sadd.s32 s2, s18  }
0x6: {  	[smem:$0x3FC2] =	sst s2  }
0x7: {  	_ = 	snop  }
0x8: {  	s2 =	sld [smem:$0x3FD0];
	(tm) =	ssettm $0x1  }
0x9: {  	s19 =	sld [smem:$0x3FFB];
	_ =	sdelay $0x3  }
0xa: {  	_ =	strace s19  }
0xb: {  	s3 =	sld [smem:$0x3FFC];
	_ =	sdelay $0x3  }
0xc: {  	_ =	strace s3  }
0xd: {  	s3 =	sld [smem:$0x3FFD];
	_ =	sdelay $0x3  }
0xe: {  	_ =	strace s3  }
0xf: {  	_ =	strace $0x8FFFFFFF  }
0x10: {  	s20 =	sld [smem:$0x3FDB];
	_ =	sdelay $0x1  }
0x11: {  	s4 =	simm.s32 $_scs_section_size  }
0x12: {  	s5 =	simm.s32 $_size__tile_overlayer_lowered;
	s6 =	simm.s32 $_tile_overlayer_lowered  }
0x13: {  	s23 =	simm.s32 $0x1BFF;
	s22 =	sshll.u32 s6, $0x1;
	s3 =	sadd.s32 s4, s20  }
0x14: {  	s7 =	simm.s32 $0x0;
	s21 =	sshll.u32 s5, $0x1;
	s5 =	sadd.s32 s22, s3  }
0x15: {  	[timem:s7], [sflag:s23] =	dma.local [hbm:s5], s21  }
0x16: {  	_ =	swait.ge [sflag:s23], s21  }
0x17: {  	s4 =	ssub.s32 $0x0, s21;
	[sflag:s23] =	ssyncset.done $0x0  }
0x18: {  	[sflag:s23] =	ssyncadd.s32 s4;
	_ =	sdelay $0x1  }
0x19: {  	s24 =	simm.s32 $0x1B8B  }
0x1a: {  	_ =	swait.ge [sflag:s24], $0x1  }
0x1b: {  	[sflag:s24] =	ssyncset.done $0x0  }
0x1c: {  	s26 =	simm.s32 $0x1B8E;
	s25 =	sld [smem:$0x3FFE];
	[sflag:s24] =	ssyncadd.s32 $0xFFFFFFFF  }
0x1d: {  	s27 =	simm.s32 $execute0_lowered;
	[smem:$0x3FD2] =	sst s26  }
0x1e: {  	s5 =	sshll.u32 s27, $0x1;
	_ =	strace $0x80000049;
	[dreg:$0x1] =	wrdreg $0xFFFFFFFF  }
0x1f: {  	s28 =	simm.s32 $_size_execute0_lowered;
	s3 =	sadd.s32 s3, s5;
	[dreg:$0x0] =	wrdreg $0x0  }
0x20: {  	s5 =	sshll.u32 s28, $0x1;
	[dreg:$0x2] =	wrdreg s3  }
0x21: {  	[dreg:$0x3] =	wrdreg s5  }
0x22: {  	[dreg:$0x4] =	wrdreg $0xC0  }
0x23: {  	_ =	task [dreg:s7], $0x5FFFF  }
0x24: {  	[dreg:$0x1] =	wrdreg $0xFFFFFFFF  }
0x25: {  	[dreg:$0x0] =	wrdreg $0x60  }
0x26: {  	[dreg:$0x2] =	wrdreg s25  }
0x27: {  	[dreg:$0x3] =	wrdreg s2  }
0x28: {  	[dreg:$0x4] =	wrdreg $0x9  }
0x29: {  	_ =	task.clear_ibuf [dreg:s7], $0x5FFFF;
	_ =	strace $0x90000049  }
0x2a: {  	s29 =	simm.s32 $0x9;
	_ =	strace $0x8000004B  }
0x2b: {  	_ =	swait.ge [sflag:s29], $0x1  }
0x2c: {  	[sflag:s29] =	ssyncadd.s32 $0xFFFFFFFF  }
0x2d: {  	_ =	strace $0x9000004B  }
0x2e: {  	_ =	sfence  }
0x2f: {  	s30 =	sld [smem:$0x0];
	_ =	sdelay $0x2  }
0x30: {  	s31 =	sshll.u32 s1, $0xD;
	s1 =	sshrl.u32 s1, $0x2  }
0x31: {  	s3 =	sand.u32 $0x4000, s31;
	s1 =	sadd.s32 s1, s30  }
0x32: {  	s0 =	sor.u32 s3, s0;
	s1 =	sshll.u32 s1, $0x11  }
0x33: {  	s0 =	sor.u32 s1, s0  }
0x34: {  	s0 =	sadd.s32 $0x8F2B, s0  }
0x35: {  	[sflag:s0] =	ssyncadd.remote.s32 $0x1  }
0x36: {  	_ =	sfence.sel $0xFFFF  }
0x37: {  	[dreg:$0x0] =	wrdreg $0xFFFFFFFF;
	(pc) =	sbr.abs _section_cstart, $3  }
0x38: {  	[dreg:$0x1] =	wrdreg $0xFFFFFFFF  }
0x39: {  	_ =	task.clear_ibuf [dreg:s7], $0x2FFFF;
	_ =	strace $0x9FFFFFFF  }
0x3a: {  	(tm) =	ssettm $0x7FFFFFFF  }
0x3b: {  	_ =	shalt  }
tec
execute0_lowered:
.L_overlay_start_1:
0x0: {  	(tag) =	ssettag $0x1  }
0x1: {  	s0 =	srdreg.scid  }
0x2: {  	s1 =	sshll.u32 s0, $0x4  }
0x3: {  	s0 =	stileid.u32;
	s1 =	sand.u32 $0x10, s1  }
0x4: {  	s1 =	sor.u32 s0, s1  }
0x5: {  	s6 =	rddreg [dreg:$0x0];
	s4 =	simm.s32 $0x1;
	s2 =	sshll.u32 s1, $0x7  }
0x6: {  	s7 =	simm.s32 $0x2;
	s12 =	simm.s32 $0x0;
	s1 =	ssub.s32 $0x1000, s2  }
0x7: {  	s8 =	simm.s32 $0x8000;
	s13 =	simm.s32 $0x0;
	s3 =	sand.u32 $0xF80, s1  }
0x8: {  	s9 =	simm.s32 $0x0;
	s5 =	sshrl.u32 s1, $0xC;
	p0 =	sne.s32 s3, $0x0  }
.Ltmp0:
0x9: {  	s1 =	rddreg [dreg:$0x2];
	s4 =	simm.s32 @!p0 $0x0;
	(pc) =	sbr.rel .LBB1_1-.Ltmp0, $4  }
0xa: {  	s11 =	simm.s32 $0x0;
	s3 =	rddreg [dreg:$0x1];
	s5 =	sadd.s32 s4, s5  }
0xb: {  	_ =	strace $0x8000004A;
	s4 =	simm.s32 $0x1;
	s5 =	smul.u32 $0xC8, s5  }
0xc: {  	s6 =	sadd.s32 $0xE00, s6;
	s10 =	smov.u32 s2;
	[sflag:s4] =	ssyncpa.u1 $0x0  }
0xd: {  	p0 =	por $0x0, $0x0;
	[sflag:s7] =	ssyncpa.u1 $0x0;
	s7 =	sor.u32 $0x1, s5  }
.LBB1_4:
0xe: {  	s16 =	sshll.u32 s13, $0x3;
	s17 =	sand.u32 $0x78, s13  }
0xf: {  	s30 =	sand.u32 $0x7E00, s13;
	s12 =	sshll.u32 s12, $0xF;
	s16 =	sand.u32 $0xC00, s16  }
0x10: {  	[tilespmem:s15+$0x810 ss:$0x81] =	vst.msk $0xffff, v2;
	s31 =	sand.u32 $0x7, s13;
	s16 =	sor.u32 s17, s16;
	s17 =	sadd.s32 s3, s30  }
0x11: {  	[tilespmem:s15+$0x1020 ss:$0x81] =	vst.msk $0xffff, v0;
	s13 =	sshll.u32 s31, $0x12;
	s12 =	sadd.s32 s12, s17;
	s16 =	sshrl.u32 s16, $0x3  }
0x12: {  	[tilespmem:s15+$0x0 ss:$0x81] =	vst.msk $0xffff, v1;
	s13 =	sor.u32 $0x400, s13;
	s12 =	sadd.s32 s16, s12  }
0x13: {  	[hbm4b:s12+s13] =	stream.strided.scatter [tilespmem:s14], [sflag:$0x2], $0x2000, s8, s13, $0x20;
	[tilespmem:$0x8080] =	vst v63  }
.LBB1_5:
0x14: {  	s14 =	sadd.s32 $0x1, s9  }
0x15: {  	s12 =	sadd.s32 $0x1000, s10;
	s16 =	smov.u32 s10;
	p2 =	sgt.s32 s14, $0xC7  }
0x16: {  	s16 =	smov.u32 @p2 s12  }
0x17: {  	s14 =	simm.s32 @p2 $0x0;
	p2 =	sgt.s32 s16, $0xFFF  }
0x18: {  	s16 =	smov.u32 @p2 s2;
	p2 =	sne.s32 s11, s7  }
.Ltmp1:
0x19: {  	p1 =	slt.u32 s11, $0x2;
	(pc) =	sbr.rel @!p2 .LBB1_6-.Ltmp1, $4  }
0x1a: {  	s15 =	simm.s32 @!p1 $0x2  }
0x1b: {  	s13 =	smov.u32 s10;
	p0 =	por !p0, !p0;
	_ =	swait.ge @!p1 [sflag:s15], $0x2000  }
0x1c: {  	s12 =	smov.u32 s9;
	[sflag:s15] =	ssyncset.done @!p1 $0x0;
	s9 =	smov.u32 s14  }
0x1d: {  	s11 =	sadd.s32 $0x1, s11;
	[sflag:s15] =	ssyncadd.s32 @!p1 $0xFFFFE000;
	s10 =	smov.u32 s16  }
.LBB1_1:
0x1e: {  	p1 =	sge.u32 s11, s5  }
0x1f: {  	s14 =	sand.u32 @!p1 $0x1FFFFFF, s9  }
0x20: {  	s15 =	smulhi.u32 @!p1 $0x147AE15, s14;
	_ =	sdelay $0x1  }
0x21: {  	s15 =	smul.u32 @!p1 $0xC8, s15  }
0x22: {  	s16 =	sxor.u32 @!p1 $0xFFFFFFFF, s11;
	s17 =	smul.u32 @!p1 $0xC80, s10  }
0x23: {  	s31 =	sadd.s32 $0xFFFFFFFF, s11;
	s16 =	sshll.u32 @!p1 s16, $0xD;
	s14 =	ssub.s32 @!p1 s14, s15  }
0x24: {  	s15 =	sand.u32 @!p1 $0x2000, s16;
	s16 =	sadd.s32 @!p1 s6, s17;
	s14 =	sshll.u32 @!p1 s14, $0x4  }
0x25: {  	s17 =	simm.s32 @!p1 $0x6400;
	s14 =	sadd.s32 @!p1 s14, s16;
	s16 =	simm.s32 @!p1 $0x40  }
0x26: {  	[tilespmem:s15], [sflag:$0x1] =	stream.strided.gather @!p1 [hbm4b:s14+s16], $0x2000, s17, s16, $0x38;
	[tilespmem:$0x8080] =	vst v63  }
0x27: {  	p1 =	sge.u32 s31, s5  }
.Ltmp2:
0x28: {  	_ = 	snop;
	(pc) =	sbr.rel @p1 .LBB1_5-.Ltmp2, $1  }
0x29: {  	_ =	sdelay $0x3  }
0x2a: {  	s14 =	simm.s32 $0x1  }
0x2b: {  	_ =	swait.ge [sflag:s4], $0x2000;
	s14 =	simm.s32 @!p0 $0x0  }
0x2c: {  	[sflag:s4] =	ssyncset.done $0x0;
	s15 =	sshll.u32 s14, $0xD  }
0x2d: {  	[sflag:s4] =	ssyncadd.s32 $0xFFFFE000;
	s18 =	sor.u32 $0x20, s15  }
0x2e: {  	s14 =	smul.u32 $0x8100, s14;
	v3 =	vld [tilespmem:s18+$0x10]  }
0x2f: {  	s30 =	sand.u32 $0x1, s11;
	v2 =	vld [tilespmem:s18+$0xFFFFFFF0]  }
0x30: {  	s15 =	smul.u32 $0x8100, s30;
	s14 =	sshrl.u32 s14, $0x2;
	v0 =	vld [tilespmem:s18+$0x0]  }
0x31: {  	v1 =	vld [tilespmem:s18+$0xFFFFFFE0];
	s16 =	sor.u32 $0x4000, s14  }
0x32: {  	s31 =	sshrl.u32 s15, $0x2;
	s15 =	sadd.s32 $0x0, s16  }
0x33: {  	s17 =	simm.s32 $0x4;
	s18 =	sadd.s32 $0x40, s18;
	s14 =	sor.u32 $0x4000, s31;
	[tilespmem:s15+$0x1830 ss:$0x81] =	vst.msk $0xffff, v3  }
.LBB1_3:
0x34: {  	v3 =	vld [tilespmem:s18+$0x10];
	p1 =	sne.s32 s17, $0x1FC;
	[tilespmem:s15+$0x810 ss:$0x81] =	vst.msk $0xffff, v2;
	s19 =	smov.u32 s17;
	s17 =	sadd.s32 $0x4, s17  }
.Ltmp3:
0x35: {  	v2 =	vld [tilespmem:s18+$0xFFFFFFF0];
	[tilespmem:s15+$0x1020 ss:$0x81] =	vst.msk $0xffff, v0;
	(pc) =	sbr.rel @p1 .LBB1_3-.Ltmp3, $4  }
0x36: {  	v0 =	vld [tilespmem:s18+$0x0];
	[tilespmem:s15+$0x0 ss:$0x81] =	vst.msk $0xffff, v1  }
0x37: {  	s15 =	sshra.s32 s19, $0x2;
	v1 =	vld [tilespmem:s18+$0xFFFFFFE0]  }
0x38: {  	s15 =	sadd.s32 s15, s16  }
0x39: {  	s18 =	sadd.s32 $0x40, s18;
	[tilespmem:s15+$0x1830 ss:$0x81] =	vst.msk $0xffff, v3  }
.Ltmp4:
0x3a: {  	_ = 	snop;
	(pc) =	sbr.rel .LBB1_4-.Ltmp4, $1  }
0x3b: {  	_ =	sdelay $0x3  }
.LBB1_6:
0x3c: {  	_ =	sfence.sel $0x180000  }
0x3d: {  	s2 =	simm.s32 $0x1;
	[bflag:$0x0] =	sbarrier.arrive $0xFFFF  }
0x3e: {  	s31 =	simm.s32 $0x2;
	[sflag:s2] =	ssyncpa.u1 $0x1  }
0x3f: {  	[sflag:s31] =	ssyncpa.u1 $0x1  }
0x40: {  	p0 =	sne.s32 s0, $0x0;
	_ =	strace $0x9000004A  }
0x41: {  	s0 =	sadd.s32 @!p0 $0x100000, s1;
	[bflag:$0x2] =	sbarrier.arrive $0xFFFF  }
0x42: {  	[sflag:s0] =	ssyncadd.tile.s32 @!p0 $0x1;
	_ =	shalt  }
.Lfunc_end1:
_tile_overlayer_lowered:
.L_overlay_start_2:
0x43: {  	(tag) =	ssettag $0x2  }
0x44: {  	s0 =	rddreg [dreg:$0x0];
	s2 =	stileid.u32  }
0x45: {  	s1 =	rddreg [dreg:$0x1];
	p0 =	sne.s32 s2, $0x0  }
0x46: {  	s3 =	rddreg [dreg:$0x2];
	[bflag:$0x3] =	sbarrier.arrive $0xFFFF;
	s2 =	simm.s32 @!p0 $0x1C01  }
0x47: {  	[timem:s3], [sflag:s2] =	dma.local @!p0 [hbm:s0], s1  }
0x48: {  	s0 =	simm.s32 @!p0 $0x1  }
0x49: {  	_ =	swait.ge @!p0 [sflag:s0], s1  }
0x4a: {  	s1 =	ssub.s32 @!p0 $0x0, s1;
	[sflag:s0] =	ssyncset.done @!p0 $0x0  }
0x4b: {  	[sflag:s0] =	ssyncadd.s32 @!p0 s1  }
0x4c: {  	[bflag:$0x3] =	sbarrier.arrive $0xFFFF  }
0x4d: {  	_ =	shalt  }

</sc_bundles>
